<compile_context>
chip_gen: v7x
topology: tpu7x:2x2x1
jax: 0.10.2.dev20260603
libtpu: 0.0.44.dev20260713+nightly
codegen_flags: <defaults>
</compile_context>

<pallas_src>
import functools

import jax
import jax.numpy as jnp
from jax.experimental import pallas as pl

_ALPHA = 3.0
_K = 16
_SEED = 1234
_noise_cache = {}


def _get_noise(n):
    if n not in _noise_cache:
        _noise_cache[n] = (
            jax.random.uniform(jax.random.key(_SEED), (n, n), jnp.float32) * 0.01)
    return _noise_cache[n]


def _stage1_kernel(m1_ref, m2_ref, w1_ref, b1_ref, w2_ref, b2_ref, o1_ref, o2_ref):
    dn = (((1,), (1,)), ((), ()))
    p1 = jax.lax.dot_general(m1_ref[...], w1_ref[...], dn,
                             preferred_element_type=jnp.float32)
    o1_ref[...] = jnp.tanh(_ALPHA * (p1 + b1_ref[...]))
    p2 = jax.lax.dot_general(m2_ref[...], w2_ref[...], dn,
                             preferred_element_type=jnp.float32)
    o2_ref[...] = jnp.tanh(_ALPHA * (p2 + b2_ref[...]))


def _threshold_full(an):
    m = jnp.max(an, axis=1, keepdims=True)
    for _ in range(_K - 1):
        m = jnp.max(jnp.where(an < m, an, -1.0), axis=1, keepdims=True)
    return m


def _adj_kernel(m1_ref, m2_ref, noise_ref, out_ref, *, block_rows, n):
    i = pl.program_id(0)
    dn = (((1,), (1,)), ((), ()))
    m1b = m1_ref[pl.ds(i * block_rows, block_rows), :]
    m2b = m2_ref[pl.ds(i * block_rows, block_rows), :]
    raw = jax.lax.dot_general(m1b, m2_ref[...], dn,
                              preferred_element_type=jnp.float32)
    raw -= jax.lax.dot_general(m2b, m1_ref[...], dn,
                               preferred_element_type=jnp.float32)
    act = jnp.maximum(jnp.tanh(_ALPHA * raw), 0.0)
    an = act + noise_ref[...]

    neg = jnp.full((block_rows, 128), -1.0, jnp.float32)
    s = [neg, neg, neg, neg]
    nv, rem = divmod(n, 128)
    for j in range(nv + (1 if rem else 0)):
        if j < nv:
            v = an[:, j * 128:(j + 1) * 128]
        else:
            v = jnp.concatenate(
                [an[:, nv * 128:], jnp.full((block_rows, 128 - rem), -1.0,
                                            jnp.float32)], axis=1)
        for lvl in range(4):
            hi = jnp.maximum(s[lvl], v)
            v = jnp.minimum(s[lvl], v)
            s[lvl] = hi
    stack = jnp.concatenate(s, axis=1)

    m = jnp.max(stack, axis=1, keepdims=True)
    for _ in range(_K - 1):
        m = jnp.max(jnp.where(stack < m, stack, -1.0), axis=1, keepdims=True)

    cnt = jnp.sum(jnp.where(an >= m, 1.0, 0.0), axis=1, keepdims=True)
    ok = jnp.all(cnt == float(_K))

    @pl.when(ok)
    def _():
        out_ref[...] = jnp.where(an >= m, act, 0.0)

    @pl.when(jnp.logical_not(ok))
    def _():
        mf = _threshold_full(an)
        out_ref[...] = jnp.where(an >= mf, act, 0.0)


def _pick_block_rows(n):
    for cand in (80, 40, 16, 8):
        if n % cand == 0:
            return cand
    return n


def kernel(x, emb1, emb2, W1, b1, W2, b2):
    n = x.shape[0]
    dim = emb1.shape[1]
    m1 = jnp.take(emb1, x, axis=0)
    m2 = jnp.take(emb2, x, axis=0)
    M1, M2 = pl.pallas_call(
        _stage1_kernel,
        out_shape=(jax.ShapeDtypeStruct((n, dim), jnp.float32),
                   jax.ShapeDtypeStruct((n, dim), jnp.float32)),
    )(m1, m2, W1, b1.reshape(1, dim), W2, b2.reshape(1, dim))

    noise = _get_noise(n)

    br = _pick_block_rows(n)
    grid = n // br
    out = pl.pallas_call(
        functools.partial(_adj_kernel, block_rows=br, n=n),
        grid=(grid,),
        in_specs=[
            pl.BlockSpec((n, dim), lambda i: (0, 0)),
            pl.BlockSpec((n, dim), lambda i: (0, 0)),
            pl.BlockSpec((br, n), lambda i: (i, 0)),
        ],
        out_specs=pl.BlockSpec((br, n), lambda i: (i, 0)),
        out_shape=jax.ShapeDtypeStruct((n, n), jnp.float32),
    )(M1, M2, noise)
    return out

# --- scband reference (transcript-rebuilt; emitter-appended) ---
"""Pipeline reference for scband-graph-learning-layer-29343216566667 (READ-ONLY COPY).

The authoritative reference and input builder live on the scoring server;
editing this copy changes nothing except your own understanding.
"""

import jax, jax.numpy as jnp
import numpy as np

N = 10000
DIM = 128
K = 16
ALPHA = 3.0


def setup_inputs(seed: int = 0) -> dict:
    key = jax.random.key(seed)
    k1, k2, k3, k4, k5, k6 = jax.random.split(key, 6)
    x = jnp.arange(N, dtype=jnp.int32)
    emb1 = jax.random.normal(k1, (N, DIM), dtype=jnp.float32) * 0.02
    emb2 = jax.random.normal(k2, (N, DIM), dtype=jnp.float32) * 0.02
    W1 = jax.random.normal(k3, (DIM, DIM), dtype=jnp.float32) * 0.05
    b1 = jax.random.normal(k4, (DIM,), dtype=jnp.float32) * 0.01
    W2 = jax.random.normal(k5, (DIM, DIM), dtype=jnp.float32) * 0.05
    b2 = jax.random.normal(k6, (DIM,), dtype=jnp.float32) * 0.01
    return {"x": x, "emb1": emb1, "emb2": emb2, "W1": W1, "b1": b1, "W2": W2, "b2": b2}


def reference(x, emb1, emb2, W1, b1, W2, b2):
    # embedding lookups (gather)
    m1 = jnp.take(emb1, x, axis=0)
    m2 = jnp.take(emb2, x, axis=0)
    # linear + tanh
    M1 = jnp.tanh(ALPHA * (m1 @ W1.T + b1))
    M2 = jnp.tanh(ALPHA * (m2 @ W2.T + b2))
    # antisymmetric adjacency
    A = M1 @ M2.T - M2 @ M1.T
    A = jax.nn.relu(jnp.tanh(ALPHA * A))
    # tie-breaking noise (matches torch.rand_like(A) * 0.01)
    noise = jax.random.uniform(jax.random.key(1234), A.shape, dtype=A.dtype) * 0.01
    s1, t1 = jax.lax.top_k(A + noise, K)
    # build binary mask via scatter-overwrite (mask.scatter_(1, t1, 1))
    n = x.shape[0]
    rows = jnp.arange(n)[:, None]
    mask = jnp.zeros((n, n), dtype=A.dtype).at[rows, t1].set(1.0)
    return A * mask

if __name__ == "__main__":
    import jax
    _d = setup_inputs()
    print(jax.jit(kernel)(*tuple(_d.values())))

</pallas_src>

<mosaic_0001>
module attributes {stable_mosaic.version = 14 : i64} {
  func.func @_stage1_kernel(%arg0: memref<10000x128xf32, #tpu.memory_space<vmem>>, %arg1: memref<10000x128xf32, #tpu.memory_space<vmem>>, %arg2: memref<128x128xf32, #tpu.memory_space<vmem>>, %arg3: memref<1x128xf32, #tpu.memory_space<vmem>>, %arg4: memref<128x128xf32, #tpu.memory_space<vmem>>, %arg5: memref<1x128xf32, #tpu.memory_space<vmem>>, %arg6: memref<10000x128xf32, #tpu.memory_space<vmem>>, %arg7: memref<10000x128xf32, #tpu.memory_space<vmem>>) attributes {dimension_semantics = [], scalar_prefetch = 0 : i64, scratch_operands = 0 : i64, tpu.core_type = #tpu.core_type<tc>} {
    %get3A = arith.constant 0 : index
    %get3A_0 = arith.constant 0 : index
    %get3A_1 = vector.load %arg0[%get3A, %get3A_0] : memref<10000x128xf32, #tpu.memory_space<vmem>>, vector<10000x128xf32>
    %get3A_2 = arith.constant 0 : index
    %get3A_3 = arith.constant 0 : index
    %get3A_4 = vector.load %arg2[%get3A_2, %get3A_3] : memref<128x128xf32, #tpu.memory_space<vmem>>, vector<128x128xf32>
    %dot_general3A = arith.constant dense<0.000000e+00> : vector<10000x128xf32>
    %dot_general3A_5 = tpu.matmul %get3A_1, %get3A_4, %dot_general3A {dimension_numbers = #tpu.dot_dimension_numbers<[1], [1], [0], [0], [0, 0, 1, 0], [], []>, transpose_lhs_hint = false} : vector<10000x128xf32>, vector<128x128xf32>, vector<10000x128xf32> -> vector<10000x128xf32>
    %get3A_6 = arith.constant 0 : index
    %get3A_7 = arith.constant 0 : index
    %get3A_8 = vector.load %arg3[%get3A_6, %get3A_7] : memref<1x128xf32, #tpu.memory_space<vmem>>, vector<1x128xf32>
    %add3A = vector.broadcast %get3A_8 : vector<1x128xf32> to vector<10000x128xf32>
    %add3A_9 = arith.addf %dot_general3A_5, %add3A : vector<10000x128xf32>
    %mul3A = arith.constant 3.000000e+00 : f32
    %mul3A_10 = vector.broadcast %mul3A : f32 to vector<10000x128xf32>
    %mul3A_11 = arith.mulf %mul3A_10, %add3A_9 : vector<10000x128xf32>
    %tanh3A = math.tanh %mul3A_11 : vector<10000x128xf32>
    %swap3A = arith.constant 0 : index
    %swap3A_12 = arith.constant 0 : index
    %swap3A_13 = vector.load %arg6[%swap3A, %swap3A_12] : memref<10000x128xf32, #tpu.memory_space<vmem>>, vector<10000x128xf32>
    tpu.vector_store %arg6[%swap3A, %swap3A_12], %tanh3A {strides = array<i32>} : memref<10000x128xf32, #tpu.memory_space<vmem>>, vector<10000x128xf32>,
    %get3A_14 = arith.constant 0 : index
    %get3A_15 = arith.constant 0 : index
    %get3A_16 = vector.load %arg1[%get3A_14, %get3A_15] : memref<10000x128xf32, #tpu.memory_space<vmem>>, vector<10000x128xf32>
    %get3A_17 = arith.constant 0 : index
    %get3A_18 = arith.constant 0 : index
    %get3A_19 = vector.load %arg4[%get3A_17, %get3A_18] : memref<128x128xf32, #tpu.memory_space<vmem>>, vector<128x128xf32>
    %dot_general3A_20 = arith.constant dense<0.000000e+00> : vector<10000x128xf32>
    %dot_general3A_21 = tpu.matmul %get3A_16, %get3A_19, %dot_general3A_20 {dimension_numbers = #tpu.dot_dimension_numbers<[1], [1], [0], [0], [0, 0, 1, 0], [], []>, transpose_lhs_hint = false} : vector<10000x128xf32>, vector<128x128xf32>, vector<10000x128xf32> -> vector<10000x128xf32>
    %get3A_22 = arith.constant 0 : index
    %get3A_23 = arith.constant 0 : index
    %get3A_24 = vector.load %arg5[%get3A_22, %get3A_23] : memref<1x128xf32, #tpu.memory_space<vmem>>, vector<1x128xf32>
    %add3A_25 = vector.broadcast %get3A_24 : vector<1x128xf32> to vector<10000x128xf32>
    %add3A_26 = arith.addf %dot_general3A_21, %add3A_25 : vector<10000x128xf32>
    %mul3A_27 = arith.constant 3.000000e+00 : f32
    %mul3A_28 = vector.broadcast %mul3A_27 : f32 to vector<10000x128xf32>
    %mul3A_29 = arith.mulf %mul3A_28, %add3A_26 : vector<10000x128xf32>
    %tanh3A_30 = math.tanh %mul3A_29 : vector<10000x128xf32>
    %swap3A_31 = arith.constant 0 : index
    %swap3A_32 = arith.constant 0 : index
    %swap3A_33 = vector.load %arg7[%swap3A_31, %swap3A_32] : memref<10000x128xf32, #tpu.memory_space<vmem>>, vector<10000x128xf32>
    tpu.vector_store %arg7[%swap3A_31, %swap3A_32], %tanh3A_30 {strides = array<i32>} : memref<10000x128xf32, #tpu.memory_space<vmem>>, vector<10000x128xf32>,
    return
  }
}

module attributes {stable_mosaic.version = 14 : i64} {
  func.func @_adj_kernel(%arg0: i32, %arg1: memref<10000x128xf32, #tpu.memory_space<vmem>>, %arg2: memref<10000x128xf32, #tpu.memory_space<vmem>>, %arg3: memref<80x10000xf32, #tpu.memory_space<vmem>>, %arg4: memref<80x10000xf32, #tpu.memory_space<vmem>>) attributes {dimension_semantics = [#tpu.dimension_semantics<arbitrary>], iteration_bounds = array<i64: 125>, scalar_prefetch = 0 : i64, scratch_operands = 0 : i64, tpu.core_type = #tpu.core_type<tc>, window_params = [{pipeline_mode = #tpu.pipeline_mode<synchronous>, transform_indices = @transform_0, window_bounds = array<i64: 10000, 128>}, {pipeline_mode = #tpu.pipeline_mode<synchronous>, transform_indices = @transform_1, window_bounds = array<i64: 10000, 128>}, {transform_indices = @transform_2, window_bounds = array<i64: 80, 10000>}, {transform_indices = @transform_3, window_bounds = array<i64: 80, 10000>}]} {
    %mul3A = arith.constant 80 : i32
    %mul3A_0 = arith.muli %arg0, %mul3A : i32
    %get3A = arith.index_cast %mul3A_0 : i32 to index
    %get3A_1 = arith.constant 0 : index
    %get3A_2 = vector.load %arg1[%get3A, %get3A_1] : memref<10000x128xf32, #tpu.memory_space<vmem>>, vector<80x128xf32>
    %mul3A_3 = arith.constant 80 : i32
    %mul3A_4 = arith.muli %arg0, %mul3A_3 : i32
    %get3A_5 = arith.index_cast %mul3A_4 : i32 to index
    %get3A_6 = arith.constant 0 : index
    %get3A_7 = vector.load %arg2[%get3A_5, %get3A_6] : memref<10000x128xf32, #tpu.memory_space<vmem>>, vector<80x128xf32>
    %get3A_8 = arith.constant 0 : index
    %get3A_9 = arith.constant 0 : index
    %get3A_10 = vector.load %arg2[%get3A_8, %get3A_9] : memref<10000x128xf32, #tpu.memory_space<vmem>>, vector<10000x128xf32>
    %dot_general3A = arith.constant dense<0.000000e+00> : vector<80x10000xf32>
    %dot_general3A_11 = tpu.matmul %get3A_2, %get3A_10, %dot_general3A {dimension_numbers = #tpu.dot_dimension_numbers<[1], [1], [0], [0], [0, 0, 1, 0], [], []>, transpose_lhs_hint = false} : vector<80x128xf32>, vector<10000x128xf32>, vector<80x10000xf32> -> vector<80x10000xf32>
    %get3A_12 = arith.constant 0 : index
    %get3A_13 = arith.constant 0 : index
    %get3A_14 = vector.load %arg1[%get3A_12, %get3A_13] : memref<10000x128xf32, #tpu.memory_space<vmem>>, vector<10000x128xf32>
    %dot_general3A_15 = arith.constant dense<0.000000e+00> : vector<80x10000xf32>
    %dot_general3A_16 = tpu.matmul %get3A_7, %get3A_14, %dot_general3A_15 {dimension_numbers = #tpu.dot_dimension_numbers<[1], [1], [0], [0], [0, 0, 1, 0], [], []>, transpose_lhs_hint = false} : vector<80x128xf32>, vector<10000x128xf32>, vector<80x10000xf32> -> vector<80x10000xf32>
    %sub3A = arith.subf %dot_general3A_11, %dot_general3A_16 : vector<80x10000xf32>
    %mul3A_17 = arith.constant 3.000000e+00 : f32
    %mul3A_18 = vector.broadcast %mul3A_17 : f32 to vector<80x10000xf32>
    %mul3A_19 = arith.mulf %mul3A_18, %sub3A : vector<80x10000xf32>
    %tanh3A = math.tanh %mul3A_19 : vector<80x10000xf32>
    %max3A = arith.constant 0.000000e+00 : f32
    %max3A_20 = vector.broadcast %max3A : f32 to vector<80x10000xf32>
    %max3A_21 = arith.maximumf %tanh3A, %max3A_20 : vector<80x10000xf32>
    %get3A_22 = arith.constant 0 : index
    %get3A_23 = arith.constant 0 : index
    %get3A_24 = vector.load %arg3[%get3A_22, %get3A_23] : memref<80x10000xf32, #tpu.memory_space<vmem>>, vector<80x10000xf32>
    %add3A = arith.addf %max3A_21, %get3A_24 : vector<80x10000xf32>
    %broadcast_in_dim3A = arith.constant -1.000000e+00 : f32
    %broadcast_in_dim3A_25 = vector.broadcast %broadcast_in_dim3A : f32 to vector<80x128xf32>
    %slice3A = vector.extract_strided_slice %add3A {offsets = [0, 0], sizes = [80, 128], strides = [1, 1]} : vector<80x10000xf32> to vector<80x128xf32>
    %max3A_26 = arith.maximumf %broadcast_in_dim3A_25, %slice3A : vector<80x128xf32>
    %min3A = arith.minimumf %broadcast_in_dim3A_25, %slice3A : vector<80x128xf32>
    %max3A_27 = arith.maximumf %broadcast_in_dim3A_25, %min3A : vector<80x128xf32>
    %min3A_28 = arith.minimumf %broadcast_in_dim3A_25, %min3A : vector<80x128xf32>
    %max3A_29 = arith.maximumf %broadcast_in_dim3A_25, %min3A_28 : vector<80x128xf32>
    %min3A_30 = arith.minimumf %broadcast_in_dim3A_25, %min3A_28 : vector<80x128xf32>
    %max3A_31 = arith.maximumf %broadcast_in_dim3A_25, %min3A_30 : vector<80x128xf32>
    %slice3A_32 = vector.extract_strided_slice %add3A {offsets = [0, 128], sizes = [80, 128], strides = [1, 1]} : vector<80x10000xf32> to vector<80x128xf32>
    %max3A_33 = arith.maximumf %max3A_26, %slice3A_32 : vector<80x128xf32>
    %min3A_34 = arith.minimumf %max3A_26, %slice3A_32 : vector<80x128xf32>
    %max3A_35 = arith.maximumf %max3A_27, %min3A_34 : vector<80x128xf32>
    %min3A_36 = arith.minimumf %max3A_27, %min3A_34 : vector<80x128xf32>
    %max3A_37 = arith.maximumf %max3A_29, %min3A_36 : vector<80x128xf32>
    %min3A_38 = arith.minimumf %max3A_29, %min3A_36 : vector<80x128xf32>
    %max3A_39 = arith.maximumf %max3A_31, %min3A_38 : vector<80x128xf32>
    %slice3A_40 = vector.extract_strided_slice %add3A {offsets = [0, 256], sizes = [80, 128], strides = [1, 1]} : vector<80x10000xf32> to vector<80x128xf32>
    %max3A_41 = arith.maximumf %max3A_33, %slice3A_40 : vector<80x128xf32>
    %min3A_42 = arith.minimumf %max3A_33, %slice3A_40 : vector<80x128xf32>
    %max3A_43 = arith.maximumf %max3A_35, %min3A_42 : vector<80x128xf32>
    %min3A_44 = arith.minimumf %max3A_35, %min3A_42 : vector<80x128xf32>
    %max3A_45 = arith.maximumf %max3A_37, %min3A_44 : vector<80x128xf32>
    %min3A_46 = arith.minimumf %max3A_37, %min3A_44 : vector<80x128xf32>
    %max3A_47 = arith.maximumf %max3A_39, %min3A_46 : vector<80x128xf32>
    %slice3A_48 = vector.extract_strided_slice %add3A {offsets = [0, 384], sizes = [80, 128], strides = [1, 1]} : vector<80x10000xf32> to vector<80x128xf32>
    %max3A_49 = arith.maximumf %max3A_41, %slice3A_48 : vector<80x128xf32>
    %min3A_50 = arith.minimumf %max3A_41, %slice3A_48 : vector<80x128xf32>
    %max3A_51 = arith.maximumf %max3A_43, %min3A_50 : vector<80x128xf32>
    %min3A_52 = arith.minimumf %max3A_43, %min3A_50 : vector<80x128xf32>
    %max3A_53 = arith.maximumf %max3A_45, %min3A_52 : vector<80x128xf32>
    %min3A_54 = arith.minimumf %max3A_45, %min3A_52 : vector<80x128xf32>
    %max3A_55 = arith.maximumf %max3A_47, %min3A_54 : vector<80x128xf32>
    %slice3A_56 = vector.extract_strided_slice %add3A {offsets = [0, 512], sizes = [80, 128], strides = [1, 1]} : vector<80x10000xf32> to vector<80x128xf32>
    %max3A_57 = arith.maximumf %max3A_49, %slice3A_56 : vector<80x128xf32>
    %min3A_58 = arith.minimumf %max3A_49, %slice3A_56 : vector<80x128xf32>
    %max3A_59 = arith.maximumf %max3A_51, %min3A_58 : vector<80x128xf32>
    %min3A_60 = arith.minimumf %max3A_51, %min3A_58 : vector<80x128xf32>
    %max3A_61 = arith.maximumf %max3A_53, %min3A_60 : vector<80x128xf32>
    %min3A_62 = arith.minimumf %max3A_53, %min3A_60 : vector<80x128xf32>
    %max3A_63 = arith.maximumf %max3A_55, %min3A_62 : vector<80x128xf32>
    %slice3A_64 = vector.extract_strided_slice %add3A {offsets = [0, 640], sizes = [80, 128], strides = [1, 1]} : vector<80x10000xf32> to vector<80x128xf32>
    %max3A_65 = arith.maximumf %max3A_57, %slice3A_64 : vector<80x128xf32>
    %min3A_66 = arith.minimumf %max3A_57, %slice3A_64 : vector<80x128xf32>
    %max3A_67 = arith.maximumf %max3A_59, %min3A_66 : vector<80x128xf32>
    %min3A_68 = arith.minimumf %max3A_59, %min3A_66 : vector<80x128xf32>
    %max3A_69 = arith.maximumf %max3A_61, %min3A_68 : vector<80x128xf32>
    %min3A_70 = arith.minimumf %max3A_61, %min3A_68 : vector<80x128xf32>
    %max3A_71 = arith.maximumf %max3A_63, %min3A_70 : vector<80x128xf32>
    %slice3A_72 = vector.extract_strided_slice %add3A {offsets = [0, 768], sizes = [80, 128], strides = [1, 1]} : vector<80x10000xf32> to vector<80x128xf32>
    %max3A_73 = arith.maximumf %max3A_65, %slice3A_72 : vector<80x128xf32>
    %min3A_74 = arith.minimumf %max3A_65, %slice3A_72 : vector<80x128xf32>
    %max3A_75 = arith.maximumf %max3A_67, %min3A_74 : vector<80x128xf32>
    %min3A_76 = arith.minimumf %max3A_67, %min3A_74 : vector<80x128xf32>
    %max3A_77 = arith.maximumf %max3A_69, %min3A_76 : vector<80x128xf32>
    %min3A_78 = arith.minimumf %max3A_69, %min3A_76 : vector<80x128xf32>
    %max3A_79 = arith.maximumf %max3A_71, %min3A_78 : vector<80x128xf32>
    %slice3A_80 = vector.extract_strided_slice %add3A {offsets = [0, 896], sizes = [80, 128], strides = [1, 1]} : vector<80x10000xf32> to vector<80x128xf32>
    %max3A_81 = arith.maximumf %max3A_73, %slice3A_80 : vector<80x128xf32>
    %min3A_82 = arith.minimumf %max3A_73, %slice3A_80 : vector<80x128xf32>
    %max3A_83 = arith.maximumf %max3A_75, %min3A_82 : vector<80x128xf32>
    %min3A_84 = arith.minimumf %max3A_75, %min3A_82 : vector<80x128xf32>
    %max3A_85 = arith.maximumf %max3A_77, %min3A_84 : vector<80x128xf32>
    %min3A_86 = arith.minimumf %max3A_77, %min3A_84 : vector<80x128xf32>
    %max3A_87 = arith.maximumf %max3A_79, %min3A_86 : vector<80x128xf32>
    %slice3A_88 = vector.extract_strided_slice %add3A {offsets = [0, 1024], sizes = [80, 128], strides = [1, 1]} : vector<80x10000xf32> to vector<80x128xf32>
    %max3A_89 = arith.maximumf %max3A_81, %slice3A_88 : vector<80x128xf32>
    %min3A_90 = arith.minimumf %max3A_81, %slice3A_88 : vector<80x128xf32>
    %max3A_91 = arith.maximumf %max3A_83, %min3A_90 : vector<80x128xf32>
    %min3A_92 = arith.minimumf %max3A_83, %min3A_90 : vector<80x128xf32>
    %max3A_93 = arith.maximumf %max3A_85, %min3A_92 : vector<80x128xf32>
    %min3A_94 = arith.minimumf %max3A_85, %min3A_92 : vector<80x128xf32>
    %max3A_95 = arith.maximumf %max3A_87, %min3A_94 : vector<80x128xf32>
    %slice3A_96 = vector.extract_strided_slice %add3A {offsets = [0, 1152], sizes = [80, 128], strides = [1, 1]} : vector<80x10000xf32> to vector<80x128xf32>
    %max3A_97 = arith.maximumf %max3A_89, %slice3A_96 : vector<80x128xf32>
    %min3A_98 = arith.minimumf %max3A_89, %slice3A_96 : vector<80x128xf32>
    %max3A_99 = arith.maximumf %max3A_91, %min3A_98 : vector<80x128xf32>
    %min3A_100 = arith.minimumf %max3A_91, %min3A_98 : vector<80x128xf32>
    %max3A_101 = arith.maximumf %max3A_93, %min3A_100 : vector<80x128xf32>
    %min3A_102 = arith.minimumf %max3A_93, %min3A_100 : vector<80x128xf32>
    %max3A_103 = arith.maximumf %max3A_95, %min3A_102 : vector<80x128xf32>
    %slice3A_104 = vector.extract_strided_slice %add3A {offsets = [0, 1280], sizes = [80, 128], strides = [1, 1]} : vector<80x10000xf32> to vector<80x128xf32>
    %max3A_105 = arith.maximumf %max3A_97, %slice3A_104 : vector<80x128xf32>
    %min3A_106 = arith.minimumf %max3A_97, %slice3A_104 : vector<80x128xf32>
    %max3A_107 = arith.maximumf %max3A_99, %min3A_106 : vector<80x128xf32>
    %min3A_108 = arith.minimumf %max3A_99, %min3A_106 : vector<80x128xf32>
    %max3A_109 = arith.maximumf %max3A_101, %min3A_108 : vector<80x128xf32>
    %min3A_110 = arith.minimumf %max3A_101, %min3A_108 : vector<80x128xf32>
    %max3A_111 = arith.maximumf %max3A_103, %min3A_110 : vector<80x128xf32>
    %slice3A_112 = vector.extract_strided_slice %add3A {offsets = [0, 1408], sizes = [80, 128], strides = [1, 1]} : vector<80x10000xf32> to vector<80x128xf32>
    %max3A_113 = arith.maximumf %max3A_105, %slice3A_112 : vector<80x128xf32>
    %min3A_114 = arith.minimumf %max3A_105, %slice3A_112 : vector<80x128xf32>
    %max3A_115 = arith.maximumf %max3A_107, %min3A_114 : vector<80x128xf32>
    %min3A_116 = arith.minimumf %max3A_107, %min3A_114 : vector<80x128xf32>
    %max3A_117 = arith.maximumf %max3A_109, %min3A_116 : vector<80x128xf32>
    %min3A_118 = arith.minimumf %max3A_109, %min3A_116 : vector<80x128xf32>
    %max3A_119 = arith.maximumf %max3A_111, %min3A_118 : vector<80x128xf32>
    %slice3A_120 = vector.extract_strided_slice %add3A {offsets = [0, 1536], sizes = [80, 128], strides = [1, 1]} : vector<80x10000xf32> to vector<80x128xf32>
    %max3A_121 = arith.maximumf %max3A_113, %slice3A_120 : vector<80x128xf32>
    %min3A_122 = arith.minimumf %max3A_113, %slice3A_120 : vector<80x128xf32>
    %max3A_123 = arith.maximumf %max3A_115, %min3A_122 : vector<80x128xf32>
    %min3A_124 = arith.minimumf %max3A_115, %min3A_122 : vector<80x128xf32>
    %max3A_125 = arith.maximumf %max3A_117, %min3A_124 : vector<80x128xf32>
    %min3A_126 = arith.minimumf %max3A_117, %min3A_124 : vector<80x128xf32>
    %max3A_127 = arith.maximumf %max3A_119, %min3A_126 : vector<80x128xf32>
    %slice3A_128 = vector.extract_strided_slice %add3A {offsets = [0, 1664], sizes = [80, 128], strides = [1, 1]} : vector<80x10000xf32> to vector<80x128xf32>
    %max3A_129 = arith.maximumf %max3A_121, %slice3A_128 : vector<80x128xf32>
    %min3A_130 = arith.minimumf %max3A_121, %slice3A_128 : vector<80x128xf32>
    %max3A_131 = arith.maximumf %max3A_123, %min3A_130 : vector<80x128xf32>
    %min3A_132 = arith.minimumf %max3A_123, %min3A_130 : vector<80x128xf32>
    %max3A_133 = arith.maximumf %max3A_125, %min3A_132 : vector<80x128xf32>
    %min3A_134 = arith.minimumf %max3A_125, %min3A_132 : vector<80x128xf32>
    %max3A_135 = arith.maximumf %max3A_127, %min3A_134 : vector<80x128xf32>
    %slice3A_136 = vector.extract_strided_slice %add3A {offsets = [0, 1792], sizes = [80, 128], strides = [1, 1]} : vector<80x10000xf32> to vector<80x128xf32>
    %max3A_137 = arith.maximumf %max3A_129, %slice3A_136 : vector<80x128xf32>
    %min3A_138 = arith.minimumf %max3A_129, %slice3A_136 : vector<80x128xf32>
    %max3A_139 = arith.maximumf %max3A_131, %min3A_138 : vector<80x128xf32>
    %min3A_140 = arith.minimumf %max3A_131, %min3A_138 : vector<80x128xf32>
    %max3A_141 = arith.maximumf %max3A_133, %min3A_140 : vector<80x128xf32>
    %min3A_142 = arith.minimumf %max3A_133, %min3A_140 : vector<80x128xf32>
    %max3A_143 = arith.maximumf %max3A_135, %min3A_142 : vector<80x128xf32>
    %slice3A_144 = vector.extract_strided_slice %add3A {offsets = [0, 1920], sizes = [80, 128], strides = [1, 1]} : vector<80x10000xf32> to vector<80x128xf32>
    %max3A_145 = arith.maximumf %max3A_137, %slice3A_144 : vector<80x128xf32>
    %min3A_146 = arith.minimumf %max3A_137, %slice3A_144 : vector<80x128xf32>
    %max3A_147 = arith.maximumf %max3A_139, %min3A_146 : vector<80x128xf32>
    %min3A_148 = arith.minimumf %max3A_139, %min3A_146 : vector<80x128xf32>
    %max3A_149 = arith.maximumf %max3A_141, %min3A_148 : vector<80x128xf32>
    %min3A_150 = arith.minimumf %max3A_141, %min3A_148 : vector<80x128xf32>
    %max3A_151 = arith.maximumf %max3A_143, %min3A_150 : vector<80x128xf32>
    %slice3A_152 = vector.extract_strided_slice %add3A {offsets = [0, 2048], sizes = [80, 128], strides = [1, 1]} : vector<80x10000xf32> to vector<80x128xf32>
    %max3A_153 = arith.maximumf %max3A_145, %slice3A_152 : vector<80x128xf32>
    %min3A_154 = arith.minimumf %max3A_145, %slice3A_152 : vector<80x128xf32>
    %max3A_155 = arith.maximumf %max3A_147, %min3A_154 : vector<80x128xf32>
    %min3A_156 = arith.minimumf %max3A_147, %min3A_154 : vector<80x128xf32>
    %max3A_157 = arith.maximumf %max3A_149, %min3A_156 : vector<80x128xf32>
    %min3A_158 = arith.minimumf %max3A_149, %min3A_156 : vector<80x128xf32>
    %max3A_159 = arith.maximumf %max3A_151, %min3A_158 : vector<80x128xf32>
    %slice3A_160 = vector.extract_strided_slice %add3A {offsets = [0, 2176], sizes = [80, 128], strides = [1, 1]} : vector<80x10000xf32> to vector<80x128xf32>
    %max3A_161 = arith.maximumf %max3A_153, %slice3A_160 : vector<80x128xf32>
    %min3A_162 = arith.minimumf %max3A_153, %slice3A_160 : vector<80x128xf32>
    %max3A_163 = arith.maximumf %max3A_155, %min3A_162 : vector<80x128xf32>
    %min3A_164 = arith.minimumf %max3A_155, %min3A_162 : vector<80x128xf32>
    %max3A_165 = arith.maximumf %max3A_157, %min3A_164 : vector<80x128xf32>
    %min3A_166 = arith.minimumf %max3A_157, %min3A_164 : vector<80x128xf32>
    %max3A_167 = arith.maximumf %max3A_159, %min3A_166 : vector<80x128xf32>
    %slice3A_168 = vector.extract_strided_slice %add3A {offsets = [0, 2304], sizes = [80, 128], strides = [1, 1]} : vector<80x10000xf32> to vector<80x128xf32>
    %max3A_169 = arith.maximumf %max3A_161, %slice3A_168 : vector<80x128xf32>
    %min3A_170 = arith.minimumf %max3A_161, %slice3A_168 : vector<80x128xf32>
    %max3A_171 = arith.maximumf %max3A_163, %min3A_170 : vector<80x128xf32>
    %min3A_172 = arith.minimumf %max3A_163, %min3A_170 : vector<80x128xf32>
    %max3A_173 = arith.maximumf %max3A_165, %min3A_172 : vector<80x128xf32>
    %min3A_174 = arith.minimumf %max3A_165, %min3A_172 : vector<80x128xf32>
    %max3A_175 = arith.maximumf %max3A_167, %min3A_174 : vector<80x128xf32>
    %slice3A_176 = vector.extract_strided_slice %add3A {offsets = [0, 2432], sizes = [80, 128], strides = [1, 1]} : vector<80x10000xf32> to vector<80x128xf32>
    %max3A_177 = arith.maximumf %max3A_169, %slice3A_176 : vector<80x128xf32>
    %min3A_178 = arith.minimumf %max3A_169, %slice3A_176 : vector<80x128xf32>
    %max3A_179 = arith.maximumf %max3A_171, %min3A_178 : vector<80x128xf32>
    %min3A_180 = arith.minimumf %max3A_171, %min3A_178 : vector<80x128xf32>
    %max3A_181 = arith.maximumf %max3A_173, %min3A_180 : vector<80x128xf32>
    %min3A_182 = arith.minimumf %max3A_173, %min3A_180 : vector<80x128xf32>
    %max3A_183 = arith.maximumf %max3A_175, %min3A_182 : vector<80x128xf32>
    %slice3A_184 = vector.extract_strided_slice %add3A {offsets = [0, 2560], sizes = [80, 128], strides = [1, 1]} : vector<80x10000xf32> to vector<80x128xf32>
    %max3A_185 = arith.maximumf %max3A_177, %slice3A_184 : vector<80x128xf32>
    %min3A_186 = arith.minimumf %max3A_177, %slice3A_184 : vector<80x128xf32>
    %max3A_187 = arith.maximumf %max3A_179, %min3A_186 : vector<80x128xf32>
    %min3A_188 = arith.minimumf %max3A_179, %min3A_186 : vector<80x128xf32>
    %max3A_189 = arith.maximumf %max3A_181, %min3A_188 : vector<80x128xf32>
    %min3A_190 = arith.minimumf %max3A_181, %min3A_188 : vector<80x128xf32>
    %max3A_191 = arith.maximumf %max3A_183, %min3A_190 : vector<80x128xf32>
    %slice3A_192 = vector.extract_strided_slice %add3A {offsets = [0, 2688], sizes = [80, 128], strides = [1, 1]} : vector<80x10000xf32> to vector<80x128xf32>
    %max3A_193 = arith.maximumf %max3A_185, %slice3A_192 : vector<80x128xf32>
    %min3A_194 = arith.minimumf %max3A_185, %slice3A_192 : vector<80x128xf32>
    %max3A_195 = arith.maximumf %max3A_187, %min3A_194 : vector<80x128xf32>
    %min3A_196 = arith.minimumf %max3A_187, %min3A_194 : vector<80x128xf32>
    %max3A_197 = arith.maximumf %max3A_189, %min3A_196 : vector<80x128xf32>
    %min3A_198 = arith.minimumf %max3A_189, %min3A_196 : vector<80x128xf32>
    %max3A_199 = arith.maximumf %max3A_191, %min3A_198 : vector<80x128xf32>
    %slice3A_200 = vector.extract_strided_slice %add3A {offsets = [0, 2816], sizes = [80, 128], strides = [1, 1]} : vector<80x10000xf32> to vector<80x128xf32>
    %max3A_201 = arith.maximumf %max3A_193, %slice3A_200 : vector<80x128xf32>
    %min3A_202 = arith.minimumf %max3A_193, %slice3A_200 : vector<80x128xf32>
    %max3A_203 = arith.maximumf %max3A_195, %min3A_202 : vector<80x128xf32>
    %min3A_204 = arith.minimumf %max3A_195, %min3A_202 : vector<80x128xf32>
    %max3A_205 = arith.maximumf %max3A_197, %min3A_204 : vector<80x128xf32>
    %min3A_206 = arith.minimumf %max3A_197, %min3A_204 : vector<80x128xf32>
    %max3A_207 = arith.maximumf %max3A_199, %min3A_206 : vector<80x128xf32>
    %slice3A_208 = vector.extract_strided_slice %add3A {offsets = [0, 2944], sizes = [80, 128], strides = [1, 1]} : vector<80x10000xf32> to vector<80x128xf32>
    %max3A_209 = arith.maximumf %max3A_201, %slice3A_208 : vector<80x128xf32>
    %min3A_210 = arith.minimumf %max3A_201, %slice3A_208 : vector<80x128xf32>
    %max3A_211 = arith.maximumf %max3A_203, %min3A_210 : vector<80x128xf32>
    %min3A_212 = arith.minimumf %max3A_203, %min3A_210 : vector<80x128xf32>
    %max3A_213 = arith.maximumf %max3A_205, %min3A_212 : vector<80x128xf32>
    %min3A_214 = arith.minimumf %max3A_205, %min3A_212 : vector<80x128xf32>
    %max3A_215 = arith.maximumf %max3A_207, %min3A_214 : vector<80x128xf32>
    %slice3A_216 = vector.extract_strided_slice %add3A {offsets = [0, 3072], sizes = [80, 128], strides = [1, 1]} : vector<80x10000xf32> to vector<80x128xf32>
    %max3A_217 = arith.maximumf %max3A_209, %slice3A_216 : vector<80x128xf32>
    %min3A_218 = arith.minimumf %max3A_209, %slice3A_216 : vector<80x128xf32>
    %max3A_219 = arith.maximumf %max3A_211, %min3A_218 : vector<80x128xf32>
    %min3A_220 = arith.minimumf %max3A_211, %min3A_218 : vector<80x128xf32>
    %max3A_221 = arith.maximumf %max3A_213, %min3A_220 : vector<80x128xf32>
    %min3A_222 = arith.minimumf %max3A_213, %min3A_220 : vector<80x128xf32>
    %max3A_223 = arith.maximumf %max3A_215, %min3A_222 : vector<80x128xf32>
    %slice3A_224 = vector.extract_strided_slice %add3A {offsets = [0, 3200], sizes = [80, 128], strides = [1, 1]} : vector<80x10000xf32> to vector<80x128xf32>
    %max3A_225 = arith.maximumf %max3A_217, %slice3A_224 : vector<80x128xf32>
    %min3A_226 = arith.minimumf %max3A_217, %slice3A_224 : vector<80x128xf32>
    %max3A_227 = arith.maximumf %max3A_219, %min3A_226 : vector<80x128xf32>
    %min3A_228 = arith.minimumf %max3A_219, %min3A_226 : vector<80x128xf32>
    %max3A_229 = arith.maximumf %max3A_221, %min3A_228 : vector<80x128xf32>
    %min3A_230 = arith.minimumf %max3A_221, %min3A_228 : vector<80x128xf32>
    %max3A_231 = arith.maximumf %max3A_223, %min3A_230 : vector<80x128xf32>
    %slice3A_232 = vector.extract_strided_slice %add3A {offsets = [0, 3328], sizes = [80, 128], strides = [1, 1]} : vector<80x10000xf32> to vector<80x128xf32>
    %max3A_233 = arith.maximumf %max3A_225, %slice3A_232 : vector<80x128xf32>
    %min3A_234 = arith.minimumf %max3A_225, %slice3A_232 : vector<80x128xf32>
    %max3A_235 = arith.maximumf %max3A_227, %min3A_234 : vector<80x128xf32>
    %min3A_236 = arith.minimumf %max3A_227, %min3A_234 : vector<80x128xf32>
    %max3A_237 = arith.maximumf %max3A_229, %min3A_236 : vector<80x128xf32>
    %min3A_238 = arith.minimumf %max3A_229, %min3A_236 : vector<80x128xf32>
    %max3A_239 = arith.maximumf %max3A_231, %min3A_238 : vector<80x128xf32>
    %slice3A_240 = vector.extract_strided_slice %add3A {offsets = [0, 3456], sizes = [80, 128], strides = [1, 1]} : vector<80x10000xf32> to vector<80x128xf32>
    %max3A_241 = arith.maximumf %max3A_233, %slice3A_240 : vector<80x128xf32>
    %min3A_242 = arith.minimumf %max3A_233, %slice3A_240 : vector<80x128xf32>
    %max3A_243 = arith.maximumf %max3A_235, %min3A_242 : vector<80x128xf32>
    %min3A_244 = arith.minimumf %max3A_235, %min3A_242 : vector<80x128xf32>
    %max3A_245 = arith.maximumf %max3A_237, %min3A_244 : vector<80x128xf32>
    %min3A_246 = arith.minimumf %max3A_237, %min3A_244 : vector<80x128xf32>
    %max3A_247 = arith.maximumf %max3A_239, %min3A_246 : vector<80x128xf32>
    %slice3A_248 = vector.extract_strided_slice %add3A {offsets = [0, 3584], sizes = [80, 128], strides = [1, 1]} : vector<80x10000xf32> to vector<80x128xf32>
    %max3A_249 = arith.maximumf %max3A_241, %slice3A_248 : vector<80x128xf32>
    %min3A_250 = arith.minimumf %max3A_241, %slice3A_248 : vector<80x128xf32>
    %max3A_251 = arith.maximumf %max3A_243, %min3A_250 : vector<80x128xf32>
    %min3A_252 = arith.minimumf %max3A_243, %min3A_250 : vector<80x128xf32>
    %max3A_253 = arith.maximumf %max3A_245, %min3A_252 : vector<80x128xf32>
    %min3A_254 = arith.minimumf %max3A_245, %min3A_252 : vector<80x128xf32>
    %max3A_255 = arith.maximumf %max3A_247, %min3A_254 : vector<80x128xf32>
    %slice3A_256 = vector.extract_strided_slice %add3A {offsets = [0, 3712], sizes = [80, 128], strides = [1, 1]} : vector<80x10000xf32> to vector<80x128xf32>
    %max3A_257 = arith.maximumf %max3A_249, %slice3A_256 : vector<80x128xf32>
    %min3A_258 = arith.minimumf %max3A_249, %slice3A_256 : vector<80x128xf32>
    %max3A_259 = arith.maximumf %max3A_251, %min3A_258 : vector<80x128xf32>
    %min3A_260 = arith.minimumf %max3A_251, %min3A_258 : vector<80x128xf32>
    %max3A_261 = arith.maximumf %max3A_253, %min3A_260 : vector<80x128xf32>
    %min3A_262 = arith.minimumf %max3A_253, %min3A_260 : vector<80x128xf32>
    %max3A_263 = arith.maximumf %max3A_255, %min3A_262 : vector<80x128xf32>
    %slice3A_264 = vector.extract_strided_slice %add3A {offsets = [0, 3840], sizes = [80, 128], strides = [1, 1]} : vector<80x10000xf32> to vector<80x128xf32>
    %max3A_265 = arith.maximumf %max3A_257, %slice3A_264 : vector<80x128xf32>
    %min3A_266 = arith.minimumf %max3A_257, %slice3A_264 : vector<80x128xf32>
    %max3A_267 = arith.maximumf %max3A_259, %min3A_266 : vector<80x128xf32>
    %min3A_268 = arith.minimumf %max3A_259, %min3A_266 : vector<80x128xf32>
    %max3A_269 = arith.maximumf %max3A_261, %min3A_268 : vector<80x128xf32>
    %min3A_270 = arith.minimumf %max3A_261, %min3A_268 : vector<80x128xf32>
    %max3A_271 = arith.maximumf %max3A_263, %min3A_270 : vector<80x128xf32>
    %slice3A_272 = vector.extract_strided_slice %add3A {offsets = [0, 3968], sizes = [80, 128], strides = [1, 1]} : vector<80x10000xf32> to vector<80x128xf32>
    %max3A_273 = arith.maximumf %max3A_265, %slice3A_272 : vector<80x128xf32>
    %min3A_274 = arith.minimumf %max3A_265, %slice3A_272 : vector<80x128xf32>
    %max3A_275 = arith.maximumf %max3A_267, %min3A_274 : vector<80x128xf32>
    %min3A_276 = arith.minimumf %max3A_267, %min3A_274 : vector<80x128xf32>
    %max3A_277 = arith.maximumf %max3A_269, %min3A_276 : vector<80x128xf32>
    %min3A_278 = arith.minimumf %max3A_269, %min3A_276 : vector<80x128xf32>
    %max3A_279 = arith.maximumf %max3A_271, %min3A_278 : vector<80x128xf32>
    %slice3A_280 = vector.extract_strided_slice %add3A {offsets = [0, 4096], sizes = [80, 128], strides = [1, 1]} : vector<80x10000xf32> to vector<80x128xf32>
    %max3A_281 = arith.maximumf %max3A_273, %slice3A_280 : vector<80x128xf32>
    %min3A_282 = arith.minimumf %max3A_273, %slice3A_280 : vector<80x128xf32>
    %max3A_283 = arith.maximumf %max3A_275, %min3A_282 : vector<80x128xf32>
    %min3A_284 = arith.minimumf %max3A_275, %min3A_282 : vector<80x128xf32>
    %max3A_285 = arith.maximumf %max3A_277, %min3A_284 : vector<80x128xf32>
    %min3A_286 = arith.minimumf %max3A_277, %min3A_284 : vector<80x128xf32>
    %max3A_287 = arith.maximumf %max3A_279, %min3A_286 : vector<80x128xf32>
    %slice3A_288 = vector.extract_strided_slice %add3A {offsets = [0, 4224], sizes = [80, 128], strides = [1, 1]} : vector<80x10000xf32> to vector<80x128xf32>
    %max3A_289 = arith.maximumf %max3A_281, %slice3A_288 : vector<80x128xf32>
    %min3A_290 = arith.minimumf %max3A_281, %slice3A_288 : vector<80x128xf32>
    %max3A_291 = arith.maximumf %max3A_283, %min3A_290 : vector<80x128xf32>
    %min3A_292 = arith.minimumf %max3A_283, %min3A_290 : vector<80x128xf32>
    %max3A_293 = arith.maximumf %max3A_285, %min3A_292 : vector<80x128xf32>
    %min3A_294 = arith.minimumf %max3A_285, %min3A_292 : vector<80x128xf32>
    %max3A_295 = arith.maximumf %max3A_287, %min3A_294 : vector<80x128xf32>
    %slice3A_296 = vector.extract_strided_slice %add3A {offsets = [0, 4352], sizes = [80, 128], strides = [1, 1]} : vector<80x10000xf32> to vector<80x128xf32>
    %max3A_297 = arith.maximumf %max3A_289, %slice3A_296 : vector<80x128xf32>
    %min3A_298 = arith.minimumf %max3A_289, %slice3A_296 : vector<80x128xf32>
    %max3A_299 = arith.maximumf %max3A_291, %min3A_298 : vector<80x128xf32>
    %min3A_300 = arith.minimumf %max3A_291, %min3A_298 : vector<80x128xf32>
    %max3A_301 = arith.maximumf %max3A_293, %min3A_300 : vector<80x128xf32>
    %min3A_302 = arith.minimumf %max3A_293, %min3A_300 : vector<80x128xf32>
    %max3A_303 = arith.maximumf %max3A_295, %min3A_302 : vector<80x128xf32>
    %slice3A_304 = vector.extract_strided_slice %add3A {offsets = [0, 4480], sizes = [80, 128], strides = [1, 1]} : vector<80x10000xf32> to vector<80x128xf32>
    %max3A_305 = arith.maximumf %max3A_297, %slice3A_304 : vector<80x128xf32>
    %min3A_306 = arith.minimumf %max3A_297, %slice3A_304 : vector<80x128xf32>
    %max3A_307 = arith.maximumf %max3A_299, %min3A_306 : vector<80x128xf32>
    %min3A_308 = arith.minimumf %max3A_299, %min3A_306 : vector<80x128xf32>
    %max3A_309 = arith.maximumf %max3A_301, %min3A_308 : vector<80x128xf32>
    %min3A_310 = arith.minimumf %max3A_301, %min3A_308 : vector<80x128xf32>
    %max3A_311 = arith.maximumf %max3A_303, %min3A_310 : vector<80x128xf32>
    %slice3A_312 = vector.extract_strided_slice %add3A {offsets = [0, 4608], sizes = [80, 128], strides = [1, 1]} : vector<80x10000xf32> to vector<80x128xf32>
    %max3A_313 = arith.maximumf %max3A_305, %slice3A_312 : vector<80x128xf32>
    %min3A_314 = arith.minimumf %max3A_305, %slice3A_312 : vector<80x128xf32>
    %max3A_315 = arith.maximumf %max3A_307, %min3A_314 : vector<80x128xf32>
    %min3A_316 = arith.minimumf %max3A_307, %min3A_314 : vector<80x128xf32>
    %max3A_317 = arith.maximumf %max3A_309, %min3A_316 : vector<80x128xf32>
    %min3A_318 = arith.minimumf %max3A_309, %min3A_316 : vector<80x128xf32>
    %max3A_319 = arith.maximumf %max3A_311, %min3A_318 : vector<80x128xf32>
    %slice3A_320 = vector.extract_strided_slice %add3A {offsets = [0, 4736], sizes = [80, 128], strides = [1, 1]} : vector<80x10000xf32> to vector<80x128xf32>
    %max3A_321 = arith.maximumf %max3A_313, %slice3A_320 : vector<80x128xf32>
    %min3A_322 = arith.minimumf %max3A_313, %slice3A_320 : vector<80x128xf32>
    %max3A_323 = arith.maximumf %max3A_315, %min3A_322 : vector<80x128xf32>
    %min3A_324 = arith.minimumf %max3A_315, %min3A_322 : vector<80x128xf32>
    %max3A_325 = arith.maximumf %max3A_317, %min3A_324 : vector<80x128xf32>
    %min3A_326 = arith.minimumf %max3A_317, %min3A_324 : vector<80x128xf32>
    %max3A_327 = arith.maximumf %max3A_319, %min3A_326 : vector<80x128xf32>
    %slice3A_328 = vector.extract_strided_slice %add3A {offsets = [0, 4864], sizes = [80, 128], strides = [1, 1]} : vector<80x10000xf32> to vector<80x128xf32>
    %max3A_329 = arith.maximumf %max3A_321, %slice3A_328 : vector<80x128xf32>
    %min3A_330 = arith.minimumf %max3A_321, %slice3A_328 : vector<80x128xf32>
    %max3A_331 = arith.maximumf %max3A_323, %min3A_330 : vector<80x128xf32>
    %min3A_332 = arith.minimumf %max3A_323, %min3A_330 : vector<80x128xf32>
    %max3A_333 = arith.maximumf %max3A_325, %min3A_332 : vector<80x128xf32>
    %min3A_334 = arith.minimumf %max3A_325, %min3A_332 : vector<80x128xf32>
    %max3A_335 = arith.maximumf %max3A_327, %min3A_334 : vector<80x128xf32>
    %slice3A_336 = vector.extract_strided_slice %add3A {offsets = [0, 4992], sizes = [80, 128], strides = [1, 1]} : vector<80x10000xf32> to vector<80x128xf32>
    %max3A_337 = arith.maximumf %max3A_329, %slice3A_336 : vector<80x128xf32>
    %min3A_338 = arith.minimumf %max3A_329, %slice3A_336 : vector<80x128xf32>
    %max3A_339 = arith.maximumf %max3A_331, %min3A_338 : vector<80x128xf32>
    %min3A_340 = arith.minimumf %max3A_331, %min3A_338 : vector<80x128xf32>
    %max3A_341 = arith.maximumf %max3A_333, %min3A_340 : vector<80x128xf32>
    %min3A_342 = arith.minimumf %max3A_333, %min3A_340 : vector<80x128xf32>
    %max3A_343 = arith.maximumf %max3A_335, %min3A_342 : vector<80x128xf32>
    %slice3A_344 = vector.extract_strided_slice %add3A {offsets = [0, 5120], sizes = [80, 128], strides = [1, 1]} : vector<80x10000xf32> to vector<80x128xf32>
    %max3A_345 = arith.maximumf %max3A_337, %slice3A_344 : vector<80x128xf32>
    %min3A_346 = arith.minimumf %max3A_337, %slice3A_344 : vector<80x128xf32>
    %max3A_347 = arith.maximumf %max3A_339, %min3A_346 : vector<80x128xf32>
    %min3A_348 = arith.minimumf %max3A_339, %min3A_346 : vector<80x128xf32>
    %max3A_349 = arith.maximumf %max3A_341, %min3A_348 : vector<80x128xf32>
    %min3A_350 = arith.minimumf %max3A_341, %min3A_348 : vector<80x128xf32>
    %max3A_351 = arith.maximumf %max3A_343, %min3A_350 : vector<80x128xf32>
    %slice3A_352 = vector.extract_strided_slice %add3A {offsets = [0, 5248], sizes = [80, 128], strides = [1, 1]} : vector<80x10000xf32> to vector<80x128xf32>
    %max3A_353 = arith.maximumf %max3A_345, %slice3A_352 : vector<80x128xf32>
    %min3A_354 = arith.minimumf %max3A_345, %slice3A_352 : vector<80x128xf32>
    %max3A_355 = arith.maximumf %max3A_347, %min3A_354 : vector<80x128xf32>
    %min3A_356 = arith.minimumf %max3A_347, %min3A_354 : vector<80x128xf32>
    %max3A_357 = arith.maximumf %max3A_349, %min3A_356 : vector<80x128xf32>
    %min3A_358 = arith.minimumf %max3A_349, %min3A_356 : vector<80x128xf32>
    %max3A_359 = arith.maximumf %max3A_351, %min3A_358 : vector<80x128xf32>
    %slice3A_360 = vector.extract_strided_slice %add3A {offsets = [0, 5376], sizes = [80, 128], strides = [1, 1]} : vector<80x10000xf32> to vector<80x128xf32>
    %max3A_361 = arith.maximumf %max3A_353, %slice3A_360 : vector<80x128xf32>
    %min3A_362 = arith.minimumf %max3A_353, %slice3A_360 : vector<80x128xf32>
    %max3A_363 = arith.maximumf %max3A_355, %min3A_362 : vector<80x128xf32>
    %min3A_364 = arith.minimumf %max3A_355, %min3A_362 : vector<80x128xf32>
    %max3A_365 = arith.maximumf %max3A_357, %min3A_364 : vector<80x128xf32>
    %min3A_366 = arith.minimumf %max3A_357, %min3A_364 : vector<80x128xf32>
    %max3A_367 = arith.maximumf %max3A_359, %min3A_366 : vector<80x128xf32>
    %slice3A_368 = vector.extract_strided_slice %add3A {offsets = [0, 5504], sizes = [80, 128], strides = [1, 1]} : vector<80x10000xf32> to vector<80x128xf32>
    %max3A_369 = arith.maximumf %max3A_361, %slice3A_368 : vector<80x128xf32>
    %min3A_370 = arith.minimumf %max3A_361, %slice3A_368 : vector<80x128xf32>
    %max3A_371 = arith.maximumf %max3A_363, %min3A_370 : vector<80x128xf32>
    %min3A_372 = arith.minimumf %max3A_363, %min3A_370 : vector<80x128xf32>
    %max3A_373 = arith.maximumf %max3A_365, %min3A_372 : vector<80x128xf32>
    %min3A_374 = arith.minimumf %max3A_365, %min3A_372 : vector<80x128xf32>
    %max3A_375 = arith.maximumf %max3A_367, %min3A_374 : vector<80x128xf32>
    %slice3A_376 = vector.extract_strided_slice %add3A {offsets = [0, 5632], sizes = [80, 128], strides = [1, 1]} : vector<80x10000xf32> to vector<80x128xf32>
    %max3A_377 = arith.maximumf %max3A_369, %slice3A_376 : vector<80x128xf32>
    %min3A_378 = arith.minimumf %max3A_369, %slice3A_376 : vector<80x128xf32>
    %max3A_379 = arith.maximumf %max3A_371, %min3A_378 : vector<80x128xf32>
    %min3A_380 = arith.minimumf %max3A_371, %min3A_378 : vector<80x128xf32>
    %max3A_381 = arith.maximumf %max3A_373, %min3A_380 : vector<80x128xf32>
    %min3A_382 = arith.minimumf %max3A_373, %min3A_380 : vector<80x128xf32>
    %max3A_383 = arith.maximumf %max3A_375, %min3A_382 : vector<80x128xf32>
    %slice3A_384 = vector.extract_strided_slice %add3A {offsets = [0, 5760], sizes = [80, 128], strides = [1, 1]} : vector<80x10000xf32> to vector<80x128xf32>
    %max3A_385 = arith.maximumf %max3A_377, %slice3A_384 : vector<80x128xf32>
    %min3A_386 = arith.minimumf %max3A_377, %slice3A_384 : vector<80x128xf32>
    %max3A_387 = arith.maximumf %max3A_379, %min3A_386 : vector<80x128xf32>
    %min3A_388 = arith.minimumf %max3A_379, %min3A_386 : vector<80x128xf32>
    %max3A_389 = arith.maximumf %max3A_381, %min3A_388 : vector<80x128xf32>
    %min3A_390 = arith.minimumf %max3A_381, %min3A_388 : vector<80x128xf32>
    %max3A_391 = arith.maximumf %max3A_383, %min3A_390 : vector<80x128xf32>
    %slice3A_392 = vector.extract_strided_slice %add3A {offsets = [0, 5888], sizes = [80, 128], strides = [1, 1]} : vector<80x10000xf32> to vector<80x128xf32>
    %max3A_393 = arith.maximumf %max3A_385, %slice3A_392 : vector<80x128xf32>
    %min3A_394 = arith.minimumf %max3A_385, %slice3A_392 : vector<80x128xf32>
    %max3A_395 = arith.maximumf %max3A_387, %min3A_394 : vector<80x128xf32>
    %min3A_396 = arith.minimumf %max3A_387, %min3A_394 : vector<80x128xf32>
    %max3A_397 = arith.maximumf %max3A_389, %min3A_396 : vector<80x128xf32>
    %min3A_398 = arith.minimumf %max3A_389, %min3A_396 : vector<80x128xf32>
    %max3A_399 = arith.maximumf %max3A_391, %min3A_398 : vector<80x128xf32>
    %slice3A_400 = vector.extract_strided_slice %add3A {offsets = [0, 6016], sizes = [80, 128], strides = [1, 1]} : vector<80x10000xf32> to vector<80x128xf32>
    %max3A_401 = arith.maximumf %max3A_393, %slice3A_400 : vector<80x128xf32>
    %min3A_402 = arith.minimumf %max3A_393, %slice3A_400 : vector<80x128xf32>
    %max3A_403 = arith.maximumf %max3A_395, %min3A_402 : vector<80x128xf32>
    %min3A_404 = arith.minimumf %max3A_395, %min3A_402 : vector<80x128xf32>
    %max3A_405 = arith.maximumf %max3A_397, %min3A_404 : vector<80x128xf32>
    %min3A_406 = arith.minimumf %max3A_397, %min3A_404 : vector<80x128xf32>
    %max3A_407 = arith.maximumf %max3A_399, %min3A_406 : vector<80x128xf32>
    %slice3A_408 = vector.extract_strided_slice %add3A {offsets = [0, 6144], sizes = [80, 128], strides = [1, 1]} : vector<80x10000xf32> to vector<80x128xf32>
    %max3A_409 = arith.maximumf %max3A_401, %slice3A_408 : vector<80x128xf32>
    %min3A_410 = arith.minimumf %max3A_401, %slice3A_408 : vector<80x128xf32>
    %max3A_411 = arith.maximumf %max3A_403, %min3A_410 : vector<80x128xf32>
    %min3A_412 = arith.minimumf %max3A_403, %min3A_410 : vector<80x128xf32>
    %max3A_413 = arith.maximumf %max3A_405, %min3A_412 : vector<80x128xf32>
    %min3A_414 = arith.minimumf %max3A_405, %min3A_412 : vector<80x128xf32>
    %max3A_415 = arith.maximumf %max3A_407, %min3A_414 : vector<80x128xf32>
    %slice3A_416 = vector.extract_strided_slice %add3A {offsets = [0, 6272], sizes = [80, 128], strides = [1, 1]} : vector<80x10000xf32> to vector<80x128xf32>
    %max3A_417 = arith.maximumf %max3A_409, %slice3A_416 : vector<80x128xf32>
    %min3A_418 = arith.minimumf %max3A_409, %slice3A_416 : vector<80x128xf32>
    %max3A_419 = arith.maximumf %max3A_411, %min3A_418 : vector<80x128xf32>
    %min3A_420 = arith.minimumf %max3A_411, %min3A_418 : vector<80x128xf32>
    %max3A_421 = arith.maximumf %max3A_413, %min3A_420 : vector<80x128xf32>
    %min3A_422 = arith.minimumf %max3A_413, %min3A_420 : vector<80x128xf32>
    %max3A_423 = arith.maximumf %max3A_415, %min3A_422 : vector<80x128xf32>
    %slice3A_424 = vector.extract_strided_slice %add3A {offsets = [0, 6400], sizes = [80, 128], strides = [1, 1]} : vector<80x10000xf32> to vector<80x128xf32>
    %max3A_425 = arith.maximumf %max3A_417, %slice3A_424 : vector<80x128xf32>
    %min3A_426 = arith.minimumf %max3A_417, %slice3A_424 : vector<80x128xf32>
    %max3A_427 = arith.maximumf %max3A_419, %min3A_426 : vector<80x128xf32>
    %min3A_428 = arith.minimumf %max3A_419, %min3A_426 : vector<80x128xf32>
    %max3A_429 = arith.maximumf %max3A_421, %min3A_428 : vector<80x128xf32>
    %min3A_430 = arith.minimumf %max3A_421, %min3A_428 : vector<80x128xf32>
    %max3A_431 = arith.maximumf %max3A_423, %min3A_430 : vector<80x128xf32>
    %slice3A_432 = vector.extract_strided_slice %add3A {offsets = [0, 6528], sizes = [80, 128], strides = [1, 1]} : vector<80x10000xf32> to vector<80x128xf32>
    %max3A_433 = arith.maximumf %max3A_425, %slice3A_432 : vector<80x128xf32>
    %min3A_434 = arith.minimumf %max3A_425, %slice3A_432 : vector<80x128xf32>
    %max3A_435 = arith.maximumf %max3A_427, %min3A_434 : vector<80x128xf32>
    %min3A_436 = arith.minimumf %max3A_427, %min3A_434 : vector<80x128xf32>
    %max3A_437 = arith.maximumf %max3A_429, %min3A_436 : vector<80x128xf32>
    %min3A_438 = arith.minimumf %max3A_429, %min3A_436 : vector<80x128xf32>
    %max3A_439 = arith.maximumf %max3A_431, %min3A_438 : vector<80x128xf32>
    %slice3A_440 = vector.extract_strided_slice %add3A {offsets = [0, 6656], sizes = [80, 128], strides = [1, 1]} : vector<80x10000xf32> to vector<80x128xf32>
    %max3A_441 = arith.maximumf %max3A_433, %slice3A_440 : vector<80x128xf32>
    %min3A_442 = arith.minimumf %max3A_433, %slice3A_440 : vector<80x128xf32>
    %max3A_443 = arith.maximumf %max3A_435, %min3A_442 : vector<80x128xf32>
    %min3A_444 = arith.minimumf %max3A_435, %min3A_442 : vector<80x128xf32>
    %max3A_445 = arith.maximumf %max3A_437, %min3A_444 : vector<80x128xf32>
    %min3A_446 = arith.minimumf %max3A_437, %min3A_444 : vector<80x128xf32>
    %max3A_447 = arith.maximumf %max3A_439, %min3A_446 : vector<80x128xf32>
    %slice3A_448 = vector.extract_strided_slice %add3A {offsets = [0, 6784], sizes = [80, 128], strides = [1, 1]} : vector<80x10000xf32> to vector<80x128xf32>
    %max3A_449 = arith.maximumf %max3A_441, %slice3A_448 : vector<80x128xf32>
    %min3A_450 = arith.minimumf %max3A_441, %slice3A_448 : vector<80x128xf32>
    %max3A_451 = arith.maximumf %max3A_443, %min3A_450 : vector<80x128xf32>
    %min3A_452 = arith.minimumf %max3A_443, %min3A_450 : vector<80x128xf32>
    %max3A_453 = arith.maximumf %max3A_445, %min3A_452 : vector<80x128xf32>
    %min3A_454 = arith.minimumf %max3A_445, %min3A_452 : vector<80x128xf32>
    %max3A_455 = arith.maximumf %max3A_447, %min3A_454 : vector<80x128xf32>
    %slice3A_456 = vector.extract_strided_slice %add3A {offsets = [0, 6912], sizes = [80, 128], strides = [1, 1]} : vector<80x10000xf32> to vector<80x128xf32>
    %max3A_457 = arith.maximumf %max3A_449, %slice3A_456 : vector<80x128xf32>
    %min3A_458 = arith.minimumf %max3A_449, %slice3A_456 : vector<80x128xf32>
    %max3A_459 = arith.maximumf %max3A_451, %min3A_458 : vector<80x128xf32>
    %min3A_460 = arith.minimumf %max3A_451, %min3A_458 : vector<80x128xf32>
    %max3A_461 = arith.maximumf %max3A_453, %min3A_460 : vector<80x128xf32>
    %min3A_462 = arith.minimumf %max3A_453, %min3A_460 : vector<80x128xf32>
    %max3A_463 = arith.maximumf %max3A_455, %min3A_462 : vector<80x128xf32>
    %slice3A_464 = vector.extract_strided_slice %add3A {offsets = [0, 7040], sizes = [80, 128], strides = [1, 1]} : vector<80x10000xf32> to vector<80x128xf32>
    %max3A_465 = arith.maximumf %max3A_457, %slice3A_464 : vector<80x128xf32>
    %min3A_466 = arith.minimumf %max3A_457, %slice3A_464 : vector<80x128xf32>
    %max3A_467 = arith.maximumf %max3A_459, %min3A_466 : vector<80x128xf32>
    %min3A_468 = arith.minimumf %max3A_459, %min3A_466 : vector<80x128xf32>
    %max3A_469 = arith.maximumf %max3A_461, %min3A_468 : vector<80x128xf32>
    %min3A_470 = arith.minimumf %max3A_461, %min3A_468 : vector<80x128xf32>
    %max3A_471 = arith.maximumf %max3A_463, %min3A_470 : vector<80x128xf32>
    %slice3A_472 = vector.extract_strided_slice %add3A {offsets = [0, 7168], sizes = [80, 128], strides = [1, 1]} : vector<80x10000xf32> to vector<80x128xf32>
    %max3A_473 = arith.maximumf %max3A_465, %slice3A_472 : vector<80x128xf32>
    %min3A_474 = arith.minimumf %max3A_465, %slice3A_472 : vector<80x128xf32>
    %max3A_475 = arith.maximumf %max3A_467, %min3A_474 : vector<80x128xf32>
    %min3A_476 = arith.minimumf %max3A_467, %min3A_474 : vector<80x128xf32>
    %max3A_477 = arith.maximumf %max3A_469, %min3A_476 : vector<80x128xf32>
    %min3A_478 = arith.minimumf %max3A_469, %min3A_476 : vector<80x128xf32>
    %max3A_479 = arith.maximumf %max3A_471, %min3A_478 : vector<80x128xf32>
    %slice3A_480 = vector.extract_strided_slice %add3A {offsets = [0, 7296], sizes = [80, 128], strides = [1, 1]} : vector<80x10000xf32> to vector<80x128xf32>
    %max3A_481 = arith.maximumf %max3A_473, %slice3A_480 : vector<80x128xf32>
    %min3A_482 = arith.minimumf %max3A_473, %slice3A_480 : vector<80x128xf32>
    %max3A_483 = arith.maximumf %max3A_475, %min3A_482 : vector<80x128xf32>
    %min3A_484 = arith.minimumf %max3A_475, %min3A_482 : vector<80x128xf32>
    %max3A_485 = arith.maximumf %max3A_477, %min3A_484 : vector<80x128xf32>
    %min3A_486 = arith.minimumf %max3A_477, %min3A_484 : vector<80x128xf32>
    %max3A_487 = arith.maximumf %max3A_479, %min3A_486 : vector<80x128xf32>
    %slice3A_488 = vector.extract_strided_slice %add3A {offsets = [0, 7424], sizes = [80, 128], strides = [1, 1]} : vector<80x10000xf32> to vector<80x128xf32>
    %max3A_489 = arith.maximumf %max3A_481, %slice3A_488 : vector<80x128xf32>
    %min3A_490 = arith.minimumf %max3A_481, %slice3A_488 : vector<80x128xf32>
    %max3A_491 = arith.maximumf %max3A_483, %min3A_490 : vector<80x128xf32>
    %min3A_492 = arith.minimumf %max3A_483, %min3A_490 : vector<80x128xf32>
    %max3A_493 = arith.maximumf %max3A_485, %min3A_492 : vector<80x128xf32>
    %min3A_494 = arith.minimumf %max3A_485, %min3A_492 : vector<80x128xf32>
    %max3A_495 = arith.maximumf %max3A_487, %min3A_494 : vector<80x128xf32>
    %slice3A_496 = vector.extract_strided_slice %add3A {offsets = [0, 7552], sizes = [80, 128], strides = [1, 1]} : vector<80x10000xf32> to vector<80x128xf32>
    %max3A_497 = arith.maximumf %max3A_489, %slice3A_496 : vector<80x128xf32>
    %min3A_498 = arith.minimumf %max3A_489, %slice3A_496 : vector<80x128xf32>
    %max3A_499 = arith.maximumf %max3A_491, %min3A_498 : vector<80x128xf32>
    %min3A_500 = arith.minimumf %max3A_491, %min3A_498 : vector<80x128xf32>
    %max3A_501 = arith.maximumf %max3A_493, %min3A_500 : vector<80x128xf32>
    %min3A_502 = arith.minimumf %max3A_493, %min3A_500 : vector<80x128xf32>
    %max3A_503 = arith.maximumf %max3A_495, %min3A_502 : vector<80x128xf32>
    %slice3A_504 = vector.extract_strided_slice %add3A {offsets = [0, 7680], sizes = [80, 128], strides = [1, 1]} : vector<80x10000xf32> to vector<80x128xf32>
    %max3A_505 = arith.maximumf %max3A_497, %slice3A_504 : vector<80x128xf32>
    %min3A_506 = arith.minimumf %max3A_497, %slice3A_504 : vector<80x128xf32>
    %max3A_507 = arith.maximumf %max3A_499, %min3A_506 : vector<80x128xf32>
    %min3A_508 = arith.minimumf %max3A_499, %min3A_506 : vector<80x128xf32>
    %max3A_509 = arith.maximumf %max3A_501, %min3A_508 : vector<80x128xf32>
    %min3A_510 = arith.minimumf %max3A_501, %min3A_508 : vector<80x128xf32>
    %max3A_511 = arith.maximumf %max3A_503, %min3A_510 : vector<80x128xf32>
    %slice3A_512 = vector.extract_strided_slice %add3A {offsets = [0, 7808], sizes = [80, 128], strides = [1, 1]} : vector<80x10000xf32> to vector<80x128xf32>
    %max3A_513 = arith.maximumf %max3A_505, %slice3A_512 : vector<80x128xf32>
    %min3A_514 = arith.minimumf %max3A_505, %slice3A_512 : vector<80x128xf32>
    %max3A_515 = arith.maximumf %max3A_507, %min3A_514 : vector<80x128xf32>
    %min3A_516 = arith.minimumf %max3A_507, %min3A_514 : vector<80x128xf32>
    %max3A_517 = arith.maximumf %max3A_509, %min3A_516 : vector<80x128xf32>
    %min3A_518 = arith.minimumf %max3A_509, %min3A_516 : vector<80x128xf32>
    %max3A_519 = arith.maximumf %max3A_511, %min3A_518 : vector<80x128xf32>
    %slice3A_520 = vector.extract_strided_slice %add3A {offsets = [0, 7936], sizes = [80, 128], strides = [1, 1]} : vector<80x10000xf32> to vector<80x128xf32>
    %max3A_521 = arith.maximumf %max3A_513, %slice3A_520 : vector<80x128xf32>
    %min3A_522 = arith.minimumf %max3A_513, %slice3A_520 : vector<80x128xf32>
    %max3A_523 = arith.maximumf %max3A_515, %min3A_522 : vector<80x128xf32>
    %min3A_524 = arith.minimumf %max3A_515, %min3A_522 : vector<80x128xf32>
    %max3A_525 = arith.maximumf %max3A_517, %min3A_524 : vector<80x128xf32>
    %min3A_526 = arith.minimumf %max3A_517, %min3A_524 : vector<80x128xf32>
    %max3A_527 = arith.maximumf %max3A_519, %min3A_526 : vector<80x128xf32>
    %slice3A_528 = vector.extract_strided_slice %add3A {offsets = [0, 8064], sizes = [80, 128], strides = [1, 1]} : vector<80x10000xf32> to vector<80x128xf32>
    %max3A_529 = arith.maximumf %max3A_521, %slice3A_528 : vector<80x128xf32>
    %min3A_530 = arith.minimumf %max3A_521, %slice3A_528 : vector<80x128xf32>
    %max3A_531 = arith.maximumf %max3A_523, %min3A_530 : vector<80x128xf32>
    %min3A_532 = arith.minimumf %max3A_523, %min3A_530 : vector<80x128xf32>
    %max3A_533 = arith.maximumf %max3A_525, %min3A_532 : vector<80x128xf32>
    %min3A_534 = arith.minimumf %max3A_525, %min3A_532 : vector<80x128xf32>
    %max3A_535 = arith.maximumf %max3A_527, %min3A_534 : vector<80x128xf32>
    %slice3A_536 = vector.extract_strided_slice %add3A {offsets = [0, 8192], sizes = [80, 128], strides = [1, 1]} : vector<80x10000xf32> to vector<80x128xf32>
    %max3A_537 = arith.maximumf %max3A_529, %slice3A_536 : vector<80x128xf32>
    %min3A_538 = arith.minimumf %max3A_529, %slice3A_536 : vector<80x128xf32>
    %max3A_539 = arith.maximumf %max3A_531, %min3A_538 : vector<80x128xf32>
    %min3A_540 = arith.minimumf %max3A_531, %min3A_538 : vector<80x128xf32>
    %max3A_541 = arith.maximumf %max3A_533, %min3A_540 : vector<80x128xf32>
    %min3A_542 = arith.minimumf %max3A_533, %min3A_540 : vector<80x128xf32>
    %max3A_543 = arith.maximumf %max3A_535, %min3A_542 : vector<80x128xf32>
    %slice3A_544 = vector.extract_strided_slice %add3A {offsets = [0, 8320], sizes = [80, 128], strides = [1, 1]} : vector<80x10000xf32> to vector<80x128xf32>
    %max3A_545 = arith.maximumf %max3A_537, %slice3A_544 : vector<80x128xf32>
    %min3A_546 = arith.minimumf %max3A_537, %slice3A_544 : vector<80x128xf32>
    %max3A_547 = arith.maximumf %max3A_539, %min3A_546 : vector<80x128xf32>
    %min3A_548 = arith.minimumf %max3A_539, %min3A_546 : vector<80x128xf32>
    %max3A_549 = arith.maximumf %max3A_541, %min3A_548 : vector<80x128xf32>
    %min3A_550 = arith.minimumf %max3A_541, %min3A_548 : vector<80x128xf32>
    %max3A_551 = arith.maximumf %max3A_543, %min3A_550 : vector<80x128xf32>
    %slice3A_552 = vector.extract_strided_slice %add3A {offsets = [0, 8448], sizes = [80, 128], strides = [1, 1]} : vector<80x10000xf32> to vector<80x128xf32>
    %max3A_553 = arith.maximumf %max3A_545, %slice3A_552 : vector<80x128xf32>
    %min3A_554 = arith.minimumf %max3A_545, %slice3A_552 : vector<80x128xf32>
    %max3A_555 = arith.maximumf %max3A_547, %min3A_554 : vector<80x128xf32>
    %min3A_556 = arith.minimumf %max3A_547, %min3A_554 : vector<80x128xf32>
    %max3A_557 = arith.maximumf %max3A_549, %min3A_556 : vector<80x128xf32>
    %min3A_558 = arith.minimumf %max3A_549, %min3A_556 : vector<80x128xf32>
    %max3A_559 = arith.maximumf %max3A_551, %min3A_558 : vector<80x128xf32>
    %slice3A_560 = vector.extract_strided_slice %add3A {offsets = [0, 8576], sizes = [80, 128], strides = [1, 1]} : vector<80x10000xf32> to vector<80x128xf32>
    %max3A_561 = arith.maximumf %max3A_553, %slice3A_560 : vector<80x128xf32>
    %min3A_562 = arith.minimumf %max3A_553, %slice3A_560 : vector<80x128xf32>
    %max3A_563 = arith.maximumf %max3A_555, %min3A_562 : vector<80x128xf32>
    %min3A_564 = arith.minimumf %max3A_555, %min3A_562 : vector<80x128xf32>
    %max3A_565 = arith.maximumf %max3A_557, %min3A_564 : vector<80x128xf32>
    %min3A_566 = arith.minimumf %max3A_557, %min3A_564 : vector<80x128xf32>
    %max3A_567 = arith.maximumf %max3A_559, %min3A_566 : vector<80x128xf32>
    %slice3A_568 = vector.extract_strided_slice %add3A {offsets = [0, 8704], sizes = [80, 128], strides = [1, 1]} : vector<80x10000xf32> to vector<80x128xf32>
    %max3A_569 = arith.maximumf %max3A_561, %slice3A_568 : vector<80x128xf32>
    %min3A_570 = arith.minimumf %max3A_561, %slice3A_568 : vector<80x128xf32>
    %max3A_571 = arith.maximumf %max3A_563, %min3A_570 : vector<80x128xf32>
    %min3A_572 = arith.minimumf %max3A_563, %min3A_570 : vector<80x128xf32>
    %max3A_573 = arith.maximumf %max3A_565, %min3A_572 : vector<80x128xf32>
    %min3A_574 = arith.minimumf %max3A_565, %min3A_572 : vector<80x128xf32>
    %max3A_575 = arith.maximumf %max3A_567, %min3A_574 : vector<80x128xf32>
    %slice3A_576 = vector.extract_strided_slice %add3A {offsets = [0, 8832], sizes = [80, 128], strides = [1, 1]} : vector<80x10000xf32> to vector<80x128xf32>
    %max3A_577 = arith.maximumf %max3A_569, %slice3A_576 : vector<80x128xf32>
    %min3A_578 = arith.minimumf %max3A_569, %slice3A_576 : vector<80x128xf32>
    %max3A_579 = arith.maximumf %max3A_571, %min3A_578 : vector<80x128xf32>
    %min3A_580 = arith.minimumf %max3A_571, %min3A_578 : vector<80x128xf32>
    %max3A_581 = arith.maximumf %max3A_573, %min3A_580 : vector<80x128xf32>
    %min3A_582 = arith.minimumf %max3A_573, %min3A_580 : vector<80x128xf32>
    %max3A_583 = arith.maximumf %max3A_575, %min3A_582 : vector<80x128xf32>
    %slice3A_584 = vector.extract_strided_slice %add3A {offsets = [0, 8960], sizes = [80, 128], strides = [1, 1]} : vector<80x10000xf32> to vector<80x128xf32>
    %max3A_585 = arith.maximumf %max3A_577, %slice3A_584 : vector<80x128xf32>
    %min3A_586 = arith.minimumf %max3A_577, %slice3A_584 : vector<80x128xf32>
    %max3A_587 = arith.maximumf %max3A_579, %min3A_586 : vector<80x128xf32>
    %min3A_588 = arith.minimumf %max3A_579, %min3A_586 : vector<80x128xf32>
    %max3A_589 = arith.maximumf %max3A_581, %min3A_588 : vector<80x128xf32>
    %min3A_590 = arith.minimumf %max3A_581, %min3A_588 : vector<80x128xf32>
    %max3A_591 = arith.maximumf %max3A_583, %min3A_590 : vector<80x128xf32>
    %slice3A_592 = vector.extract_strided_slice %add3A {offsets = [0, 9088], sizes = [80, 128], strides = [1, 1]} : vector<80x10000xf32> to vector<80x128xf32>
    %max3A_593 = arith.maximumf %max3A_585, %slice3A_592 : vector<80x128xf32>
    %min3A_594 = arith.minimumf %max3A_585, %slice3A_592 : vector<80x128xf32>
    %max3A_595 = arith.maximumf %max3A_587, %min3A_594 : vector<80x128xf32>
    %min3A_596 = arith.minimumf %max3A_587, %min3A_594 : vector<80x128xf32>
    %max3A_597 = arith.maximumf %max3A_589, %min3A_596 : vector<80x128xf32>
    %min3A_598 = arith.minimumf %max3A_589, %min3A_596 : vector<80x128xf32>
    %max3A_599 = arith.maximumf %max3A_591, %min3A_598 : vector<80x128xf32>
    %slice3A_600 = vector.extract_strided_slice %add3A {offsets = [0, 9216], sizes = [80, 128], strides = [1, 1]} : vector<80x10000xf32> to vector<80x128xf32>
    %max3A_601 = arith.maximumf %max3A_593, %slice3A_600 : vector<80x128xf32>
    %min3A_602 = arith.minimumf %max3A_593, %slice3A_600 : vector<80x128xf32>
    %max3A_603 = arith.maximumf %max3A_595, %min3A_602 : vector<80x128xf32>
    %min3A_604 = arith.minimumf %max3A_595, %min3A_602 : vector<80x128xf32>
    %max3A_605 = arith.maximumf %max3A_597, %min3A_604 : vector<80x128xf32>
    %min3A_606 = arith.minimumf %max3A_597, %min3A_604 : vector<80x128xf32>
    %max3A_607 = arith.maximumf %max3A_599, %min3A_606 : vector<80x128xf32>
    %slice3A_608 = vector.extract_strided_slice %add3A {offsets = [0, 9344], sizes = [80, 128], strides = [1, 1]} : vector<80x10000xf32> to vector<80x128xf32>
    %max3A_609 = arith.maximumf %max3A_601, %slice3A_608 : vector<80x128xf32>
    %min3A_610 = arith.minimumf %max3A_601, %slice3A_608 : vector<80x128xf32>
    %max3A_611 = arith.maximumf %max3A_603, %min3A_610 : vector<80x128xf32>
    %min3A_612 = arith.minimumf %max3A_603, %min3A_610 : vector<80x128xf32>
    %max3A_613 = arith.maximumf %max3A_605, %min3A_612 : vector<80x128xf32>
    %min3A_614 = arith.minimumf %max3A_605, %min3A_612 : vector<80x128xf32>
    %max3A_615 = arith.maximumf %max3A_607, %min3A_614 : vector<80x128xf32>
    %slice3A_616 = vector.extract_strided_slice %add3A {offsets = [0, 9472], sizes = [80, 128], strides = [1, 1]} : vector<80x10000xf32> to vector<80x128xf32>
    %max3A_617 = arith.maximumf %max3A_609, %slice3A_616 : vector<80x128xf32>
    %min3A_618 = arith.minimumf %max3A_609, %slice3A_616 : vector<80x128xf32>
    %max3A_619 = arith.maximumf %max3A_611, %min3A_618 : vector<80x128xf32>
    %min3A_620 = arith.minimumf %max3A_611, %min3A_618 : vector<80x128xf32>
    %max3A_621 = arith.maximumf %max3A_613, %min3A_620 : vector<80x128xf32>
    %min3A_622 = arith.minimumf %max3A_613, %min3A_620 : vector<80x128xf32>
    %max3A_623 = arith.maximumf %max3A_615, %min3A_622 : vector<80x128xf32>
    %slice3A_624 = vector.extract_strided_slice %add3A {offsets = [0, 9600], sizes = [80, 128], strides = [1, 1]} : vector<80x10000xf32> to vector<80x128xf32>
    %max3A_625 = arith.maximumf %max3A_617, %slice3A_624 : vector<80x128xf32>
    %min3A_626 = arith.minimumf %max3A_617, %slice3A_624 : vector<80x128xf32>
    %max3A_627 = arith.maximumf %max3A_619, %min3A_626 : vector<80x128xf32>
    %min3A_628 = arith.minimumf %max3A_619, %min3A_626 : vector<80x128xf32>
    %max3A_629 = arith.maximumf %max3A_621, %min3A_628 : vector<80x128xf32>
    %min3A_630 = arith.minimumf %max3A_621, %min3A_628 : vector<80x128xf32>
    %max3A_631 = arith.maximumf %max3A_623, %min3A_630 : vector<80x128xf32>
    %slice3A_632 = vector.extract_strided_slice %add3A {offsets = [0, 9728], sizes = [80, 128], strides = [1, 1]} : vector<80x10000xf32> to vector<80x128xf32>
    %max3A_633 = arith.maximumf %max3A_625, %slice3A_632 : vector<80x128xf32>
    %min3A_634 = arith.minimumf %max3A_625, %slice3A_632 : vector<80x128xf32>
    %max3A_635 = arith.maximumf %max3A_627, %min3A_634 : vector<80x128xf32>
    %min3A_636 = arith.minimumf %max3A_627, %min3A_634 : vector<80x128xf32>
    %max3A_637 = arith.maximumf %max3A_629, %min3A_636 : vector<80x128xf32>
    %min3A_638 = arith.minimumf %max3A_629, %min3A_636 : vector<80x128xf32>
    %max3A_639 = arith.maximumf %max3A_631, %min3A_638 : vector<80x128xf32>
    %slice3A_640 = vector.extract_strided_slice %add3A {offsets = [0, 9856], sizes = [80, 128], strides = [1, 1]} : vector<80x10000xf32> to vector<80x128xf32>
    %max3A_641 = arith.maximumf %max3A_633, %slice3A_640 : vector<80x128xf32>
    %min3A_642 = arith.minimumf %max3A_633, %slice3A_640 : vector<80x128xf32>
    %max3A_643 = arith.maximumf %max3A_635, %min3A_642 : vector<80x128xf32>
    %min3A_644 = arith.minimumf %max3A_635, %min3A_642 : vector<80x128xf32>
    %max3A_645 = arith.maximumf %max3A_637, %min3A_644 : vector<80x128xf32>
    %min3A_646 = arith.minimumf %max3A_637, %min3A_644 : vector<80x128xf32>
    %max3A_647 = arith.maximumf %max3A_639, %min3A_646 : vector<80x128xf32>
    %slice3A_648 = vector.extract_strided_slice %add3A {offsets = [0, 9984], sizes = [80, 16], strides = [1, 1]} : vector<80x10000xf32> to vector<80x16xf32>
    %broadcast_in_dim3A_649 = arith.constant -1.000000e+00 : f32
    %broadcast_in_dim3A_650 = vector.broadcast %broadcast_in_dim3A_649 : f32 to vector<80x112xf32>
    %concatenate3A = tpu.concatenate %slice3A_648, %broadcast_in_dim3A_650 in 1 : vector<80x16xf32>, vector<80x112xf32> -> vector<80x128xf32>
    %max3A_651 = arith.maximumf %max3A_641, %concatenate3A : vector<80x128xf32>
    %min3A_652 = arith.minimumf %max3A_641, %concatenate3A : vector<80x128xf32>
    %max3A_653 = arith.maximumf %max3A_643, %min3A_652 : vector<80x128xf32>
    %min3A_654 = arith.minimumf %max3A_643, %min3A_652 : vector<80x128xf32>
    %max3A_655 = arith.maximumf %max3A_645, %min3A_654 : vector<80x128xf32>
    %min3A_656 = arith.minimumf %max3A_645, %min3A_654 : vector<80x128xf32>
    %max3A_657 = arith.maximumf %max3A_647, %min3A_656 : vector<80x128xf32>
    %concatenate3A_658 = tpu.concatenate %max3A_651, %max3A_653, %max3A_655, %max3A_657 in 1 : vector<80x128xf32>, vector<80x128xf32>, vector<80x128xf32>, vector<80x128xf32> -> vector<80x512xf32>
    %reduce_max3A = arith.constant dense<0xFF800000> : vector<80xf32>
    %reduce_max3A_659 = vector.multi_reduction <maximumf>, %concatenate3A_658, %reduce_max3A [1] : vector<80x512xf32> to vector<80xf32>
    %broadcast_in_dim3A_660 = vector.shape_cast %reduce_max3A_659 : vector<80xf32> to vector<80x1xf32>
    %lt3A = vector.broadcast %broadcast_in_dim3A_660 : vector<80x1xf32> to vector<80x512xf32>
    %lt3A_661 = arith.cmpf olt, %concatenate3A_658, %lt3A : vector<80x512xf32>
    %jit3A = arith.constant -1.000000e+00 : f32
    %broadcast_in_dim3A_662 = vector.broadcast %jit3A : f32 to vector<80x512xf32>
    %select_n3A = arith.select %lt3A_661, %concatenate3A_658, %broadcast_in_dim3A_662 : vector<80x512xi1>, vector<80x512xf32>
    %reduce_max3A_663 = arith.constant dense<0xFF800000> : vector<80xf32>
    %reduce_max3A_664 = vector.multi_reduction <maximumf>, %select_n3A, %reduce_max3A_663 [1] : vector<80x512xf32> to vector<80xf32>
    %broadcast_in_dim3A_665 = vector.shape_cast %reduce_max3A_664 : vector<80xf32> to vector<80x1xf32>
    %lt3A_666 = vector.broadcast %broadcast_in_dim3A_665 : vector<80x1xf32> to vector<80x512xf32>
    %lt3A_667 = arith.cmpf olt, %concatenate3A_658, %lt3A_666 : vector<80x512xf32>
    %jit3A_668 = arith.constant -1.000000e+00 : f32
    %broadcast_in_dim3A_669 = vector.broadcast %jit3A_668 : f32 to vector<80x512xf32>
    %select_n3A_670 = arith.select %lt3A_667, %concatenate3A_658, %broadcast_in_dim3A_669 : vector<80x512xi1>, vector<80x512xf32>
    %reduce_max3A_671 = arith.constant dense<0xFF800000> : vector<80xf32>
    %reduce_max3A_672 = vector.multi_reduction <maximumf>, %select_n3A_670, %reduce_max3A_671 [1] : vector<80x512xf32> to vector<80xf32>
    %broadcast_in_dim3A_673 = vector.shape_cast %reduce_max3A_672 : vector<80xf32> to vector<80x1xf32>
    %lt3A_674 = vector.broadcast %broadcast_in_dim3A_673 : vector<80x1xf32> to vector<80x512xf32>
    %lt3A_675 = arith.cmpf olt, %concatenate3A_658, %lt3A_674 : vector<80x512xf32>
    %jit3A_676 = arith.constant -1.000000e+00 : f32
    %broadcast_in_dim3A_677 = vector.broadcast %jit3A_676 : f32 to vector<80x512xf32>
    %select_n3A_678 = arith.select %lt3A_675, %concatenate3A_658, %broadcast_in_dim3A_677 : vector<80x512xi1>, vector<80x512xf32>
    %reduce_max3A_679 = arith.constant dense<0xFF800000> : vector<80xf32>
    %reduce_max3A_680 = vector.multi_reduction <maximumf>, %select_n3A_678, %reduce_max3A_679 [1] : vector<80x512xf32> to vector<80xf32>
    %broadcast_in_dim3A_681 = vector.shape_cast %reduce_max3A_680 : vector<80xf32> to vector<80x1xf32>
    %lt3A_682 = vector.broadcast %broadcast_in_dim3A_681 : vector<80x1xf32> to vector<80x512xf32>
    %lt3A_683 = arith.cmpf olt, %concatenate3A_658, %lt3A_682 : vector<80x512xf32>
    %jit3A_684 = arith.constant -1.000000e+00 : f32
    %broadcast_in_dim3A_685 = vector.broadcast %jit3A_684 : f32 to vector<80x512xf32>
    %select_n3A_686 = arith.select %lt3A_683, %concatenate3A_658, %broadcast_in_dim3A_685 : vector<80x512xi1>, vector<80x512xf32>
    %reduce_max3A_687 = arith.constant dense<0xFF800000> : vector<80xf32>
    %reduce_max3A_688 = vector.multi_reduction <maximumf>, %select_n3A_686, %reduce_max3A_687 [1] : vector<80x512xf32> to vector<80xf32>
    %broadcast_in_dim3A_689 = vector.shape_cast %reduce_max3A_688 : vector<80xf32> to vector<80x1xf32>
    %lt3A_690 = vector.broadcast %broadcast_in_dim3A_689 : vector<80x1xf32> to vector<80x512xf32>
    %lt3A_691 = arith.cmpf olt, %concatenate3A_658, %lt3A_690 : vector<80x512xf32>
    %jit3A_692 = arith.constant -1.000000e+00 : f32
    %broadcast_in_dim3A_693 = vector.broadcast %jit3A_692 : f32 to vector<80x512xf32>
    %select_n3A_694 = arith.select %lt3A_691, %concatenate3A_658, %broadcast_in_dim3A_693 : vector<80x512xi1>, vector<80x512xf32>
    %reduce_max3A_695 = arith.constant dense<0xFF800000> : vector<80xf32>
    %reduce_max3A_696 = vector.multi_reduction <maximumf>, %select_n3A_694, %reduce_max3A_695 [1] : vector<80x512xf32> to vector<80xf32>
    %broadcast_in_dim3A_697 = vector.shape_cast %reduce_max3A_696 : vector<80xf32> to vector<80x1xf32>
    %lt3A_698 = vector.broadcast %broadcast_in_dim3A_697 : vector<80x1xf32> to vector<80x512xf32>
    %lt3A_699 = arith.cmpf olt, %concatenate3A_658, %lt3A_698 : vector<80x512xf32>
    %jit3A_700 = arith.constant -1.000000e+00 : f32
    %broadcast_in_dim3A_701 = vector.broadcast %jit3A_700 : f32 to vector<80x512xf32>
    %select_n3A_702 = arith.select %lt3A_699, %concatenate3A_658, %broadcast_in_dim3A_701 : vector<80x512xi1>, vector<80x512xf32>
    %reduce_max3A_703 = arith.constant dense<0xFF800000> : vector<80xf32>
    %reduce_max3A_704 = vector.multi_reduction <maximumf>, %select_n3A_702, %reduce_max3A_703 [1] : vector<80x512xf32> to vector<80xf32>
    %broadcast_in_dim3A_705 = vector.shape_cast %reduce_max3A_704 : vector<80xf32> to vector<80x1xf32>
    %lt3A_706 = vector.broadcast %broadcast_in_dim3A_705 : vector<80x1xf32> to vector<80x512xf32>
    %lt3A_707 = arith.cmpf olt, %concatenate3A_658, %lt3A_706 : vector<80x512xf32>
    %jit3A_708 = arith.constant -1.000000e+00 : f32
    %broadcast_in_dim3A_709 = vector.broadcast %jit3A_708 : f32 to vector<80x512xf32>
    %select_n3A_710 = arith.select %lt3A_707, %concatenate3A_658, %broadcast_in_dim3A_709 : vector<80x512xi1>, vector<80x512xf32>
    %reduce_max3A_711 = arith.constant dense<0xFF800000> : vector<80xf32>
    %reduce_max3A_712 = vector.multi_reduction <maximumf>, %select_n3A_710, %reduce_max3A_711 [1] : vector<80x512xf32> to vector<80xf32>
    %broadcast_in_dim3A_713 = vector.shape_cast %reduce_max3A_712 : vector<80xf32> to vector<80x1xf32>
    %lt3A_714 = vector.broadcast %broadcast_in_dim3A_713 : vector<80x1xf32> to vector<80x512xf32>
    %lt3A_715 = arith.cmpf olt, %concatenate3A_658, %lt3A_714 : vector<80x512xf32>
    %jit3A_716 = arith.constant -1.000000e+00 : f32
    %broadcast_in_dim3A_717 = vector.broadcast %jit3A_716 : f32 to vector<80x512xf32>
    %select_n3A_718 = arith.select %lt3A_715, %concatenate3A_658, %broadcast_in_dim3A_717 : vector<80x512xi1>, vector<80x512xf32>
    %reduce_max3A_719 = arith.constant dense<0xFF800000> : vector<80xf32>
    %reduce_max3A_720 = vector.multi_reduction <maximumf>, %select_n3A_718, %reduce_max3A_719 [1] : vector<80x512xf32> to vector<80xf32>
    %broadcast_in_dim3A_721 = vector.shape_cast %reduce_max3A_720 : vector<80xf32> to vector<80x1xf32>
    %lt3A_722 = vector.broadcast %broadcast_in_dim3A_721 : vector<80x1xf32> to vector<80x512xf32>
    %lt3A_723 = arith.cmpf olt, %concatenate3A_658, %lt3A_722 : vector<80x512xf32>
    %jit3A_724 = arith.constant -1.000000e+00 : f32
    %broadcast_in_dim3A_725 = vector.broadcast %jit3A_724 : f32 to vector<80x512xf32>
    %select_n3A_726 = arith.select %lt3A_723, %concatenate3A_658, %broadcast_in_dim3A_725 : vector<80x512xi1>, vector<80x512xf32>
    %reduce_max3A_727 = arith.constant dense<0xFF800000> : vector<80xf32>
    %reduce_max3A_728 = vector.multi_reduction <maximumf>, %select_n3A_726, %reduce_max3A_727 [1] : vector<80x512xf32> to vector<80xf32>
    %broadcast_in_dim3A_729 = vector.shape_cast %reduce_max3A_728 : vector<80xf32> to vector<80x1xf32>
    %lt3A_730 = vector.broadcast %broadcast_in_dim3A_729 : vector<80x1xf32> to vector<80x512xf32>
    %lt3A_731 = arith.cmpf olt, %concatenate3A_658, %lt3A_730 : vector<80x512xf32>
    %jit3A_732 = arith.constant -1.000000e+00 : f32
    %broadcast_in_dim3A_733 = vector.broadcast %jit3A_732 : f32 to vector<80x512xf32>
    %select_n3A_734 = arith.select %lt3A_731, %concatenate3A_658, %broadcast_in_dim3A_733 : vector<80x512xi1>, vector<80x512xf32>
    %reduce_max3A_735 = arith.constant dense<0xFF800000> : vector<80xf32>
    %reduce_max3A_736 = vector.multi_reduction <maximumf>, %select_n3A_734, %reduce_max3A_735 [1] : vector<80x512xf32> to vector<80xf32>
    %broadcast_in_dim3A_737 = vector.shape_cast %reduce_max3A_736 : vector<80xf32> to vector<80x1xf32>
    %lt3A_738 = vector.broadcast %broadcast_in_dim3A_737 : vector<80x1xf32> to vector<80x512xf32>
    %lt3A_739 = arith.cmpf olt, %concatenate3A_658, %lt3A_738 : vector<80x512xf32>
    %jit3A_740 = arith.constant -1.000000e+00 : f32
    %broadcast_in_dim3A_741 = vector.broadcast %jit3A_740 : f32 to vector<80x512xf32>
    %select_n3A_742 = arith.select %lt3A_739, %concatenate3A_658, %broadcast_in_dim3A_741 : vector<80x512xi1>, vector<80x512xf32>
    %reduce_max3A_743 = arith.constant dense<0xFF800000> : vector<80xf32>
    %reduce_max3A_744 = vector.multi_reduction <maximumf>, %select_n3A_742, %reduce_max3A_743 [1] : vector<80x512xf32> to vector<80xf32>
    %broadcast_in_dim3A_745 = vector.shape_cast %reduce_max3A_744 : vector<80xf32> to vector<80x1xf32>
    %lt3A_746 = vector.broadcast %broadcast_in_dim3A_745 : vector<80x1xf32> to vector<80x512xf32>
    %lt3A_747 = arith.cmpf olt, %concatenate3A_658, %lt3A_746 : vector<80x512xf32>
    %jit3A_748 = arith.constant -1.000000e+00 : f32
    %broadcast_in_dim3A_749 = vector.broadcast %jit3A_748 : f32 to vector<80x512xf32>
    %select_n3A_750 = arith.select %lt3A_747, %concatenate3A_658, %broadcast_in_dim3A_749 : vector<80x512xi1>, vector<80x512xf32>
    %reduce_max3A_751 = arith.constant dense<0xFF800000> : vector<80xf32>
    %reduce_max3A_752 = vector.multi_reduction <maximumf>, %select_n3A_750, %reduce_max3A_751 [1] : vector<80x512xf32> to vector<80xf32>
    %broadcast_in_dim3A_753 = vector.shape_cast %reduce_max3A_752 : vector<80xf32> to vector<80x1xf32>
    %lt3A_754 = vector.broadcast %broadcast_in_dim3A_753 : vector<80x1xf32> to vector<80x512xf32>
    %lt3A_755 = arith.cmpf olt, %concatenate3A_658, %lt3A_754 : vector<80x512xf32>
    %jit3A_756 = arith.constant -1.000000e+00 : f32
    %broadcast_in_dim3A_757 = vector.broadcast %jit3A_756 : f32 to vector<80x512xf32>
    %select_n3A_758 = arith.select %lt3A_755, %concatenate3A_658, %broadcast_in_dim3A_757 : vector<80x512xi1>, vector<80x512xf32>
    %reduce_max3A_759 = arith.constant dense<0xFF800000> : vector<80xf32>
    %reduce_max3A_760 = vector.multi_reduction <maximumf>, %select_n3A_758, %reduce_max3A_759 [1] : vector<80x512xf32> to vector<80xf32>
    %broadcast_in_dim3A_761 = vector.shape_cast %reduce_max3A_760 : vector<80xf32> to vector<80x1xf32>
    %lt3A_762 = vector.broadcast %broadcast_in_dim3A_761 : vector<80x1xf32> to vector<80x512xf32>
    %lt3A_763 = arith.cmpf olt, %concatenate3A_658, %lt3A_762 : vector<80x512xf32>
    %jit3A_764 = arith.constant -1.000000e+00 : f32
    %broadcast_in_dim3A_765 = vector.broadcast %jit3A_764 : f32 to vector<80x512xf32>
    %select_n3A_766 = arith.select %lt3A_763, %concatenate3A_658, %broadcast_in_dim3A_765 : vector<80x512xi1>, vector<80x512xf32>
    %reduce_max3A_767 = arith.constant dense<0xFF800000> : vector<80xf32>
    %reduce_max3A_768 = vector.multi_reduction <maximumf>, %select_n3A_766, %reduce_max3A_767 [1] : vector<80x512xf32> to vector<80xf32>
    %broadcast_in_dim3A_769 = vector.shape_cast %reduce_max3A_768 : vector<80xf32> to vector<80x1xf32>
    %lt3A_770 = vector.broadcast %broadcast_in_dim3A_769 : vector<80x1xf32> to vector<80x512xf32>
    %lt3A_771 = arith.cmpf olt, %concatenate3A_658, %lt3A_770 : vector<80x512xf32>
    %jit3A_772 = arith.constant -1.000000e+00 : f32
    %broadcast_in_dim3A_773 = vector.broadcast %jit3A_772 : f32 to vector<80x512xf32>
    %select_n3A_774 = arith.select %lt3A_771, %concatenate3A_658, %broadcast_in_dim3A_773 : vector<80x512xi1>, vector<80x512xf32>
    %reduce_max3A_775 = arith.constant dense<0xFF800000> : vector<80xf32>
    %reduce_max3A_776 = vector.multi_reduction <maximumf>, %select_n3A_774, %reduce_max3A_775 [1] : vector<80x512xf32> to vector<80xf32>
    %broadcast_in_dim3A_777 = vector.shape_cast %reduce_max3A_776 : vector<80xf32> to vector<80x1xf32>
    %ge3A = vector.broadcast %broadcast_in_dim3A_777 : vector<80x1xf32> to vector<80x10000xf32>
    %ge3A_778 = arith.cmpf oge, %add3A, %ge3A : vector<80x10000xf32>
    %jit3A_779 = arith.constant 1.000000e+00 : f32
    %jit3A_780 = arith.constant 0.000000e+00 : f32
    %broadcast_in_dim3A_781 = vector.broadcast %jit3A_779 : f32 to vector<80x10000xf32>
    %broadcast_in_dim3A_782 = vector.broadcast %jit3A_780 : f32 to vector<80x10000xf32>
    %select_n3A_783 = arith.select %ge3A_778, %broadcast_in_dim3A_781, %broadcast_in_dim3A_782 : vector<80x10000xi1>, vector<80x10000xf32>
    %reduce_sum3A = arith.constant dense<0.000000e+00> : vector<80xf32>
    %reduce_sum3A_784 = vector.multi_reduction <add>, %select_n3A_783, %reduce_sum3A [1] : vector<80x10000xf32> to vector<80xf32>
    %broadcast_in_dim3A_785 = vector.shape_cast %reduce_sum3A_784 : vector<80xf32> to vector<80x1xf32>
    %eq3A = arith.constant 1.600000e+01 : f32
    %eq3A_786 = vector.broadcast %eq3A : f32 to vector<80x1xf32>
    %eq3A_787 = arith.cmpf oeq, %broadcast_in_dim3A_785, %eq3A_786 : vector<80x1xf32>
    %reduce_and3A = arith.constant 1.000000e+00 : f32
    %reduce_and3A_788 = arith.constant 0.000000e+00 : f32
    %reduce_and3A_789 = vector.broadcast %reduce_and3A : f32 to vector<80x1xf32>
    %reduce_and3A_790 = vector.broadcast %reduce_and3A_788 : f32 to vector<80x1xf32>
    %reduce_and3A_791 = arith.select %eq3A_787, %reduce_and3A_789, %reduce_and3A_790 : vector<80x1xi1>, vector<80x1xf32>
    %reduce_and3A_792 = vector.shape_cast %reduce_and3A_791 : vector<80x1xf32> to vector<1x80x1xf32>
    %reduce_and3A_793 = arith.constant dense<0x7F800000> : vector<1xf32>
    %reduce_and3A_794 = vector.multi_reduction <minimumf>, %reduce_and3A_792, %reduce_and3A_793 [1, 2] : vector<1x80x1xf32> to vector<1xf32>
    %reduce_and3A_795 = vector.shape_cast %reduce_and3A_794 : vector<1xf32> to vector<1x1x1xf32>
    %reduce_and3A_796 = vector.extract %reduce_and3A_795[0, 0, 0] : f32 from vector<1x1x1xf32>
    %reduce_and3A_797 = arith.constant 0.000000e+00 : f32
    %reduce_and3A_798 = arith.cmpf ogt, %reduce_and3A_796, %reduce_and3A_797 : f32
    %convert_element_type3A = arith.extui %reduce_and3A_798 : i1 to i32
    %cond3A = arith.constant 0 : i32
    %cond3A_799 = arith.cmpi ne, %convert_element_type3A, %cond3A : i32
    scf.if %cond3A_799 {
      %ge3A_804 = vector.broadcast %broadcast_in_dim3A_777 : vector<80x1xf32> to vector<80x10000xf32>
      %ge3A_805 = arith.cmpf oge, %add3A, %ge3A_804 : vector<80x10000xf32>
      %jit3A_806 = arith.constant 0.000000e+00 : f32
      %broadcast_in_dim3A_807 = vector.broadcast %jit3A_806 : f32 to vector<80x10000xf32>
      %select_n3A_808 = arith.select %ge3A_805, %max3A_21, %broadcast_in_dim3A_807 : vector<80x10000xi1>, vector<80x10000xf32>
      %swap3A = arith.constant 0 : index
      %swap3A_809 = arith.constant 0 : index
      %swap3A_810 = vector.load %arg4[%swap3A, %swap3A_809] : memref<80x10000xf32, #tpu.memory_space<vmem>>, vector<80x10000xf32>
      tpu.vector_store %arg4[%swap3A, %swap3A_809], %select_n3A_808 {strides = array<i32>} : memref<80x10000xf32, #tpu.memory_space<vmem>>, vector<80x10000xf32>,
    } else {
    }
    %not3A = arith.constant true
    %not3A_800 = arith.xori %reduce_and3A_798, %not3A : i1
    %convert_element_type3A_801 = arith.extui %not3A_800 : i1 to i32
    %cond3A_802 = arith.constant 0 : i32
    %cond3A_803 = arith.cmpi ne, %convert_element_type3A_801, %cond3A_802 : i32
    scf.if %cond3A_803 {
      %reduce_max3A_804 = arith.constant dense<0xFF800000> : vector<80xf32>
      %reduce_max3A_805 = vector.multi_reduction <maximumf>, %add3A, %reduce_max3A_804 [1] : vector<80x10000xf32> to vector<80xf32>
      %broadcast_in_dim3A_806 = vector.shape_cast %reduce_max3A_805 : vector<80xf32> to vector<80x1xf32>
      %lt3A_807 = vector.broadcast %broadcast_in_dim3A_806 : vector<80x1xf32> to vector<80x10000xf32>
      %lt3A_808 = arith.cmpf olt, %add3A, %lt3A_807 : vector<80x10000xf32>
      %jit3A_809 = arith.constant -1.000000e+00 : f32
      %broadcast_in_dim3A_810 = vector.broadcast %jit3A_809 : f32 to vector<80x10000xf32>
      %select_n3A_811 = arith.select %lt3A_808, %add3A, %broadcast_in_dim3A_810 : vector<80x10000xi1>, vector<80x10000xf32>
      %reduce_max3A_812 = arith.constant dense<0xFF800000> : vector<80xf32>
      %reduce_max3A_813 = vector.multi_reduction <maximumf>, %select_n3A_811, %reduce_max3A_812 [1] : vector<80x10000xf32> to vector<80xf32>
      %broadcast_in_dim3A_814 = vector.shape_cast %reduce_max3A_813 : vector<80xf32> to vector<80x1xf32>
      %lt3A_815 = vector.broadcast %broadcast_in_dim3A_814 : vector<80x1xf32> to vector<80x10000xf32>
      %lt3A_816 = arith.cmpf olt, %add3A, %lt3A_815 : vector<80x10000xf32>
      %jit3A_817 = arith.constant -1.000000e+00 : f32
      %broadcast_in_dim3A_818 = vector.broadcast %jit3A_817 : f32 to vector<80x10000xf32>
      %select_n3A_819 = arith.select %lt3A_816, %add3A, %broadcast_in_dim3A_818 : vector<80x10000xi1>, vector<80x10000xf32>
      %reduce_max3A_820 = arith.constant dense<0xFF800000> : vector<80xf32>
      %reduce_max3A_821 = vector.multi_reduction <maximumf>, %select_n3A_819, %reduce_max3A_820 [1] : vector<80x10000xf32> to vector<80xf32>
      %broadcast_in_dim3A_822 = vector.shape_cast %reduce_max3A_821 : vector<80xf32> to vector<80x1xf32>
      %lt3A_823 = vector.broadcast %broadcast_in_dim3A_822 : vector<80x1xf32> to vector<80x10000xf32>
      %lt3A_824 = arith.cmpf olt, %add3A, %lt3A_823 : vector<80x10000xf32>
      %jit3A_825 = arith.constant -1.000000e+00 : f32
      %broadcast_in_dim3A_826 = vector.broadcast %jit3A_825 : f32 to vector<80x10000xf32>
      %select_n3A_827 = arith.select %lt3A_824, %add3A, %broadcast_in_dim3A_826 : vector<80x10000xi1>, vector<80x10000xf32>
      %reduce_max3A_828 = arith.constant dense<0xFF800000> : vector<80xf32>
      %reduce_max3A_829 = vector.multi_reduction <maximumf>, %select_n3A_827, %reduce_max3A_828 [1] : vector<80x10000xf32> to vector<80xf32>
      %broadcast_in_dim3A_830 = vector.shape_cast %reduce_max3A_829 : vector<80xf32> to vector<80x1xf32>
      %lt3A_831 = vector.broadcast %broadcast_in_dim3A_830 : vector<80x1xf32> to vector<80x10000xf32>
      %lt3A_832 = arith.cmpf olt, %add3A, %lt3A_831 : vector<80x10000xf32>
      %jit3A_833 = arith.constant -1.000000e+00 : f32
      %broadcast_in_dim3A_834 = vector.broadcast %jit3A_833 : f32 to vector<80x10000xf32>
      %select_n3A_835 = arith.select %lt3A_832, %add3A, %broadcast_in_dim3A_834 : vector<80x10000xi1>, vector<80x10000xf32>
      %reduce_max3A_836 = arith.constant dense<0xFF800000> : vector<80xf32>
      %reduce_max3A_837 = vector.multi_reduction <maximumf>, %select_n3A_835, %reduce_max3A_836 [1] : vector<80x10000xf32> to vector<80xf32>
      %broadcast_in_dim3A_838 = vector.shape_cast %reduce_max3A_837 : vector<80xf32> to vector<80x1xf32>
      %lt3A_839 = vector.broadcast %broadcast_in_dim3A_838 : vector<80x1xf32> to vector<80x10000xf32>
      %lt3A_840 = arith.cmpf olt, %add3A, %lt3A_839 : vector<80x10000xf32>
      %jit3A_841 = arith.constant -1.000000e+00 : f32
      %broadcast_in_dim3A_842 = vector.broadcast %jit3A_841 : f32 to vector<80x10000xf32>
      %select_n3A_843 = arith.select %lt3A_840, %add3A, %broadcast_in_dim3A_842 : vector<80x10000xi1>, vector<80x10000xf32>
      %reduce_max3A_844 = arith.constant dense<0xFF800000> : vector<80xf32>
      %reduce_max3A_845 = vector.multi_reduction <maximumf>, %select_n3A_843, %reduce_max3A_844 [1] : vector<80x10000xf32> to vector<80xf32>
      %broadcast_in_dim3A_846 = vector.shape_cast %reduce_max3A_845 : vector<80xf32> to vector<80x1xf32>
      %lt3A_847 = vector.broadcast %broadcast_in_dim3A_846 : vector<80x1xf32> to vector<80x10000xf32>
      %lt3A_848 = arith.cmpf olt, %add3A, %lt3A_847 : vector<80x10000xf32>
      %jit3A_849 = arith.constant -1.000000e+00 : f32
      %broadcast_in_dim3A_850 = vector.broadcast %jit3A_849 : f32 to vector<80x10000xf32>
      %select_n3A_851 = arith.select %lt3A_848, %add3A, %broadcast_in_dim3A_850 : vector<80x10000xi1>, vector<80x10000xf32>
      %reduce_max3A_852 = arith.constant dense<0xFF800000> : vector<80xf32>
      %reduce_max3A_853 = vector.multi_reduction <maximumf>, %select_n3A_851, %reduce_max3A_852 [1] : vector<80x10000xf32> to vector<80xf32>
      %broadcast_in_dim3A_854 = vector.shape_cast %reduce_max3A_853 : vector<80xf32> to vector<80x1xf32>
      %lt3A_855 = vector.broadcast %broadcast_in_dim3A_854 : vector<80x1xf32> to vector<80x10000xf32>
      %lt3A_856 = arith.cmpf olt, %add3A, %lt3A_855 : vector<80x10000xf32>
      %jit3A_857 = arith.constant -1.000000e+00 : f32
      %broadcast_in_dim3A_858 = vector.broadcast %jit3A_857 : f32 to vector<80x10000xf32>
      %select_n3A_859 = arith.select %lt3A_856, %add3A, %broadcast_in_dim3A_858 : vector<80x10000xi1>, vector<80x10000xf32>
      %reduce_max3A_860 = arith.constant dense<0xFF800000> : vector<80xf32>
      %reduce_max3A_861 = vector.multi_reduction <maximumf>, %select_n3A_859, %reduce_max3A_860 [1] : vector<80x10000xf32> to vector<80xf32>
      %broadcast_in_dim3A_862 = vector.shape_cast %reduce_max3A_861 : vector<80xf32> to vector<80x1xf32>
      %lt3A_863 = vector.broadcast %broadcast_in_dim3A_862 : vector<80x1xf32> to vector<80x10000xf32>
      %lt3A_864 = arith.cmpf olt, %add3A, %lt3A_863 : vector<80x10000xf32>
      %jit3A_865 = arith.constant -1.000000e+00 : f32
      %broadcast_in_dim3A_866 = vector.broadcast %jit3A_865 : f32 to vector<80x10000xf32>
      %select_n3A_867 = arith.select %lt3A_864, %add3A, %broadcast_in_dim3A_866 : vector<80x10000xi1>, vector<80x10000xf32>
      %reduce_max3A_868 = arith.constant dense<0xFF800000> : vector<80xf32>
      %reduce_max3A_869 = vector.multi_reduction <maximumf>, %select_n3A_867, %reduce_max3A_868 [1] : vector<80x10000xf32> to vector<80xf32>
      %broadcast_in_dim3A_870 = vector.shape_cast %reduce_max3A_869 : vector<80xf32> to vector<80x1xf32>
      %lt3A_871 = vector.broadcast %broadcast_in_dim3A_870 : vector<80x1xf32> to vector<80x10000xf32>
      %lt3A_872 = arith.cmpf olt, %add3A, %lt3A_871 : vector<80x10000xf32>
      %jit3A_873 = arith.constant -1.000000e+00 : f32
      %broadcast_in_dim3A_874 = vector.broadcast %jit3A_873 : f32 to vector<80x10000xf32>
      %select_n3A_875 = arith.select %lt3A_872, %add3A, %broadcast_in_dim3A_874 : vector<80x10000xi1>, vector<80x10000xf32>
      %reduce_max3A_876 = arith.constant dense<0xFF800000> : vector<80xf32>
      %reduce_max3A_877 = vector.multi_reduction <maximumf>, %select_n3A_875, %reduce_max3A_876 [1] : vector<80x10000xf32> to vector<80xf32>
      %broadcast_in_dim3A_878 = vector.shape_cast %reduce_max3A_877 : vector<80xf32> to vector<80x1xf32>
      %lt3A_879 = vector.broadcast %broadcast_in_dim3A_878 : vector<80x1xf32> to vector<80x10000xf32>
      %lt3A_880 = arith.cmpf olt, %add3A, %lt3A_879 : vector<80x10000xf32>
      %jit3A_881 = arith.constant -1.000000e+00 : f32
      %broadcast_in_dim3A_882 = vector.broadcast %jit3A_881 : f32 to vector<80x10000xf32>
      %select_n3A_883 = arith.select %lt3A_880, %add3A, %broadcast_in_dim3A_882 : vector<80x10000xi1>, vector<80x10000xf32>
      %reduce_max3A_884 = arith.constant dense<0xFF800000> : vector<80xf32>
      %reduce_max3A_885 = vector.multi_reduction <maximumf>, %select_n3A_883, %reduce_max3A_884 [1] : vector<80x10000xf32> to vector<80xf32>
      %broadcast_in_dim3A_886 = vector.shape_cast %reduce_max3A_885 : vector<80xf32> to vector<80x1xf32>
      %lt3A_887 = vector.broadcast %broadcast_in_dim3A_886 : vector<80x1xf32> to vector<80x10000xf32>
      %lt3A_888 = arith.cmpf olt, %add3A, %lt3A_887 : vector<80x10000xf32>
      %jit3A_889 = arith.constant -1.000000e+00 : f32
      %broadcast_in_dim3A_890 = vector.broadcast %jit3A_889 : f32 to vector<80x10000xf32>
      %select_n3A_891 = arith.select %lt3A_888, %add3A, %broadcast_in_dim3A_890 : vector<80x10000xi1>, vector<80x10000xf32>
      %reduce_max3A_892 = arith.constant dense<0xFF800000> : vector<80xf32>
      %reduce_max3A_893 = vector.multi_reduction <maximumf>, %select_n3A_891, %reduce_max3A_892 [1] : vector<80x10000xf32> to vector<80xf32>
      %broadcast_in_dim3A_894 = vector.shape_cast %reduce_max3A_893 : vector<80xf32> to vector<80x1xf32>
      %lt3A_895 = vector.broadcast %broadcast_in_dim3A_894 : vector<80x1xf32> to vector<80x10000xf32>
      %lt3A_896 = arith.cmpf olt, %add3A, %lt3A_895 : vector<80x10000xf32>
      %jit3A_897 = arith.constant -1.000000e+00 : f32
      %broadcast_in_dim3A_898 = vector.broadcast %jit3A_897 : f32 to vector<80x10000xf32>
      %select_n3A_899 = arith.select %lt3A_896, %add3A, %broadcast_in_dim3A_898 : vector<80x10000xi1>, vector<80x10000xf32>
      %reduce_max3A_900 = arith.constant dense<0xFF800000> : vector<80xf32>
      %reduce_max3A_901 = vector.multi_reduction <maximumf>, %select_n3A_899, %reduce_max3A_900 [1] : vector<80x10000xf32> to vector<80xf32>
      %broadcast_in_dim3A_902 = vector.shape_cast %reduce_max3A_901 : vector<80xf32> to vector<80x1xf32>
      %lt3A_903 = vector.broadcast %broadcast_in_dim3A_902 : vector<80x1xf32> to vector<80x10000xf32>
      %lt3A_904 = arith.cmpf olt, %add3A, %lt3A_903 : vector<80x10000xf32>
      %jit3A_905 = arith.constant -1.000000e+00 : f32
      %broadcast_in_dim3A_906 = vector.broadcast %jit3A_905 : f32 to vector<80x10000xf32>
      %select_n3A_907 = arith.select %lt3A_904, %add3A, %broadcast_in_dim3A_906 : vector<80x10000xi1>, vector<80x10000xf32>
      %reduce_max3A_908 = arith.constant dense<0xFF800000> : vector<80xf32>
      %reduce_max3A_909 = vector.multi_reduction <maximumf>, %select_n3A_907, %reduce_max3A_908 [1] : vector<80x10000xf32> to vector<80xf32>
      %broadcast_in_dim3A_910 = vector.shape_cast %reduce_max3A_909 : vector<80xf32> to vector<80x1xf32>
      %lt3A_911 = vector.broadcast %broadcast_in_dim3A_910 : vector<80x1xf32> to vector<80x10000xf32>
      %lt3A_912 = arith.cmpf olt, %add3A, %lt3A_911 : vector<80x10000xf32>
      %jit3A_913 = arith.constant -1.000000e+00 : f32
      %broadcast_in_dim3A_914 = vector.broadcast %jit3A_913 : f32 to vector<80x10000xf32>
      %select_n3A_915 = arith.select %lt3A_912, %add3A, %broadcast_in_dim3A_914 : vector<80x10000xi1>, vector<80x10000xf32>
      %reduce_max3A_916 = arith.constant dense<0xFF800000> : vector<80xf32>
      %reduce_max3A_917 = vector.multi_reduction <maximumf>, %select_n3A_915, %reduce_max3A_916 [1] : vector<80x10000xf32> to vector<80xf32>
      %broadcast_in_dim3A_918 = vector.shape_cast %reduce_max3A_917 : vector<80xf32> to vector<80x1xf32>
      %lt3A_919 = vector.broadcast %broadcast_in_dim3A_918 : vector<80x1xf32> to vector<80x10000xf32>
      %lt3A_920 = arith.cmpf olt, %add3A, %lt3A_919 : vector<80x10000xf32>
      %jit3A_921 = arith.constant -1.000000e+00 : f32
      %broadcast_in_dim3A_922 = vector.broadcast %jit3A_921 : f32 to vector<80x10000xf32>
      %select_n3A_923 = arith.select %lt3A_920, %add3A, %broadcast_in_dim3A_922 : vector<80x10000xi1>, vector<80x10000xf32>
      %reduce_max3A_924 = arith.constant dense<0xFF800000> : vector<80xf32>
      %reduce_max3A_925 = vector.multi_reduction <maximumf>, %select_n3A_923, %reduce_max3A_924 [1] : vector<80x10000xf32> to vector<80xf32>
      %broadcast_in_dim3A_926 = vector.shape_cast %reduce_max3A_925 : vector<80xf32> to vector<80x1xf32>
      %ge3A_927 = vector.broadcast %broadcast_in_dim3A_926 : vector<80x1xf32> to vector<80x10000xf32>
      %ge3A_928 = arith.cmpf oge, %add3A, %ge3A_927 : vector<80x10000xf32>
      %jit3A_929 = arith.constant 0.000000e+00 : f32
      %broadcast_in_dim3A_930 = vector.broadcast %jit3A_929 : f32 to vector<80x10000xf32>
      %select_n3A_931 = arith.select %ge3A_928, %max3A_21, %broadcast_in_dim3A_930 : vector<80x10000xi1>, vector<80x10000xf32>
      %swap3A = arith.constant 0 : index
      %swap3A_932 = arith.constant 0 : index
      %swap3A_933 = vector.load %arg4[%swap3A, %swap3A_932] : memref<80x10000xf32, #tpu.memory_space<vmem>>, vector<80x10000xf32>
      tpu.vector_store %arg4[%swap3A, %swap3A_932], %select_n3A_931 {strides = array<i32>} : memref<80x10000xf32, #tpu.memory_space<vmem>>, vector<80x10000xf32>,
    } else {
    }
    return
  }
  func.func @transform_0(%arg0: i32) -> (i32, i32) {
    %c0_i32 = arith.constant 0 : i32
    %c0_i32_0 = arith.constant 0 : i32
    %c0_i32_1 = arith.constant 0 : i32
    return %c0_i32, %c0_i32_0 : i32, i32
  }
  func.func @transform_1(%arg0: i32) -> (i32, i32) {
    %c0_i32 = arith.constant 0 : i32
    %c0_i32_0 = arith.constant 0 : i32
    %c0_i32_1 = arith.constant 0 : i32
    return %c0_i32, %c0_i32_0 : i32, i32
  }
  func.func @transform_2(%arg0: i32) -> (i32, i32) {
    %c0_i32 = arith.constant 0 : i32
    %c0_i32_0 = arith.constant 0 : i32
    return %arg0, %c0_i32 : i32, i32
  }
  func.func @transform_3(%arg0: i32) -> (i32, i32) {
    %c0_i32 = arith.constant 0 : i32
    %c0_i32_0 = arith.constant 0 : i32
    return %arg0, %c0_i32 : i32, i32
  }
}

</mosaic_0001>

<sc_bundles>
// kernel: gather_offload_async_start.1
scs
__scs_entry_jumppad:
0x0: {  	(pc) =	sbr.rel $0x88, $3  }
0x1: {  	(tag) =	ssettag $0x0;
	lr =	simm.s32 $0x1  }
0x2: {  	[smem:$0x3F9A] =	sst lr;
	_ =	strace $0xD0000000  }
0x3: {  	_ = 	snop  }
0x4: {  	_ = 	snop  }
0x5: {  	_ = 	snop  }
0x6: {  	_ = 	snop  }
0x7: {  	_ = 	snop  }
__scs_overlays_trampoline_lowered:
0x8: {  	[smem:$0x3FA9] =	sst s0  }
0x9: {  	[smem:$0x3FAA] =	sst s1  }
0xa: {  	[smem:$0x3FAB] =	sst s2  }
0xb: {  	[smem:$0x3FAC] =	sst s3  }
0xc: {  	[smem:$0x3FAD] =	sst s4  }
0xd: {  	[smem:$0x3FAE] =	sst s5  }
0xe: {  	[smem:$0x3FAF] =	sst s6  }
0xf: {  	[smem:$0x3FB0] =	sst s7  }
0x10: {  	[smem:$0x3FB1] =	sst s8  }
0x11: {  	[smem:$0x3FB2] =	sst s9;
	s0 =	simm.s32 @!p0 $0x0  }
0x12: {  	s1 =	sld [smem:$0x3F98];
	s0 =	simm.s32 @p0 $0x1  }
0x13: {  	[smem:$0x3FB3] =	sst s0;
	s0 =	simm.s32 @!p1 $0x0  }
0x14: {  	s2 =	sld [smem:$0x3F97];
	s0 =	simm.s32 @p1 $0x1  }
0x15: {  	[smem:$0x3FB4] =	sst s0;
	s0 =	simm.s32 @!p2 $0x0  }
0x16: {  	s3 =	sld [smem:$0x3FDB];
	s0 =	simm.s32 @p2 $0x1  }
0x17: {  	s4 =	simm.s32 $0x1BF5;
	[smem:$0x3FB6] =	sst s0  }
0x18: {  	s0 =	sld [smem:$0x3F99];
	_ =	swait.ge [sflag:s4], $0x0  }
0x19: {  	s7 =	sld [smem:$0x3F9A]  }
0x1a: {  	s8 =	sadd.s32 $0xFFFFE003, lr  }
0x1b: {  	s9 =	sadd.s32 $0xFFFFFEF7, lr;
	s5 =	simm.s32 $0xFFFFFFFF;
	p2 =	slt.u32 s8, $0xFFFFF086  }
0x1c: {  	p1 =	slt.u32 s9, $0xF7A;
	s5 =	simm.s32 @!p2 $0x0  }
0x1d: {  	s5 =	simm.s32 @p1 $0x1;
	p0 =	seq.s32 s7, s2  }
0x1e: {  	s7 =	smul.u32 @!p0 $0xF7A, s2;
	p2 =	seq.s32 @!p0 s5, $0x0  }
0x1f: {  	s9 =	smul.u32 $0xF7A, s1;
	s8 =	simm.s32 @!p0 $0x1BF5;
	p2 =	por !p2, p0  }
0x20: {  	[sflag:s8] =	ssyncset.s32 @!p0 $0xFFFFF086;
	s6 =	sadd.s32 @!p0 s3, s7;
	s7 =	simm.s32 @!p0 $0x108  }
0x21: {  	s3 =	sadd.s32 s3, s9;
	s6 =	sadd.s32 @!p0 $0x88, s6;
	s7 =	simm.s32 @p2 $0x1082  }
0x22: {  	[simem:s7], [sflag:s8] =	dma.local @!p0 [hbm:s6], $0xF7A  }
0x23: {  	s9 =	sor.u32 $0xD0000000, s2;
	s6 =	simm.s32 $0x108;
	_ =	swait.ge @!p0 [sflag:s8], $0x0  }
0x24: {  	s3 =	sadd.s32 $0x88, s3;
	s6 =	simm.s32 @!p1 $0x1082;
	[sflag:s4] =	ssyncset.s32 $0xFFFFF086  }
0x25: {  	[simem:s6], [sflag:s4] =	dma.local [hbm:s3], $0xF7A  }
0x26: {  	[smem:$0x3F9A] =	sst s1;
	(tag) =	ssettag s2;
	_ =	strace s9  }
0x27: {  	s1 =	sld [smem:$0x3FAA]  }
0x28: {  	s2 =	sld [smem:$0x3FAB]  }
0x29: {  	s4 =	sld [smem:$0x3FAD]  }
0x2a: {  	p0 =	seq.s32 s5, $0x0;
	s5 =	sld [smem:$0x3FAE]  }
0x2b: {  	s6 =	sld [smem:$0x3FAF]  }
0x2c: {  	s7 =	sld [smem:$0x3FB0]  }
0x2d: {  	s3 =	simm.s32 $0x108;
	s8 =	sld [smem:$0x3FB1]  }
0x2e: {  	s3 =	simm.s32 @!p0 $0x1082;
	s9 =	sld [smem:$0x3FB2]  }
0x2f: {  	lr =	sadd.s32 s0, s3;
	s0 =	sld [smem:$0x3FA9]  }
0x30: {  	s3 =	sld [smem:$0x3FAC]  }
0x31: {  	[smem:$0x3FB5] =	sst s10  }
0x32: {  	s10 =	sld [smem:$0x3FB3];
	_ =	sdelay $0x3  }
0x33: {  	p0 =	seq.s32 s10, $0x1;
	s10 =	sld [smem:$0x3FB5];
	_ =	sdelay $0x3  }
0x34: {  	[smem:$0x3FB5] =	sst s10  }
0x35: {  	s10 =	sld [smem:$0x3FB4];
	_ =	sdelay $0x3  }
0x36: {  	p1 =	seq.s32 s10, $0x1;
	s10 =	sld [smem:$0x3FB5];
	_ =	sdelay $0x3  }
0x37: {  	[smem:$0x3FB5] =	sst s10  }
0x38: {  	s10 =	sld [smem:$0x3FB6]  }
0x39: {  	_ = 	snop;
	(pc) =	sbr.ind lr, $3  }
0x3a: {  	_ = 	snop  }
0x3b: {  	_ = 	snop  }
0x3c: {  	p2 =	seq.s32 s10, $0x1;
	s10 =	sld [smem:$0x3FB5]  }
0x3d: {  	_ =	shalt  }
0x3e: {  	_ =	shalt  }
0x3f: {  	_ =	shalt  }
0x40: {  	_ =	shalt  }
0x41: {  	_ =	shalt  }
0x42: {  	_ =	shalt  }
0x43: {  	_ =	shalt  }
0x44: {  	_ =	shalt  }
0x45: {  	_ =	shalt  }
0x46: {  	_ =	shalt  }
0x47: {  	_ =	shalt  }
0x48: {  	_ =	shalt  }
0x49: {  	_ =	shalt  }
0x4a: {  	_ =	shalt  }
0x4b: {  	_ =	shalt  }
0x4c: {  	_ =	shalt  }
0x4d: {  	_ =	shalt  }
0x4e: {  	_ =	shalt  }
0x4f: {  	_ =	shalt  }
0x50: {  	_ =	shalt  }
0x51: {  	_ =	shalt  }
0x52: {  	_ =	shalt  }
0x53: {  	_ =	shalt  }
0x54: {  	_ =	shalt  }
0x55: {  	_ =	shalt  }
0x56: {  	_ =	shalt  }
0x57: {  	_ =	shalt  }
0x58: {  	_ =	shalt  }
0x59: {  	_ =	shalt  }
0x5a: {  	_ =	shalt  }
0x5b: {  	_ =	shalt  }
0x5c: {  	_ =	shalt  }
0x5d: {  	_ =	shalt  }
0x5e: {  	_ =	shalt  }
0x5f: {  	_ =	shalt  }
0x60: {  	_ =	shalt  }
0x61: {  	_ =	shalt  }
0x62: {  	_ =	shalt  }
0x63: {  	_ =	shalt  }
0x64: {  	_ =	shalt  }
0x65: {  	_ =	shalt  }
0x66: {  	_ =	shalt  }
0x67: {  	_ =	shalt  }
0x68: {  	_ =	shalt  }
0x69: {  	_ =	shalt  }
0x6a: {  	_ =	shalt  }
0x6b: {  	_ =	shalt  }
0x6c: {  	_ =	shalt  }
0x6d: {  	_ =	shalt  }
0x6e: {  	_ =	shalt  }
0x6f: {  	_ =	shalt  }
0x70: {  	_ =	shalt  }
0x71: {  	_ =	shalt  }
0x72: {  	_ =	shalt  }
0x73: {  	_ =	shalt  }
0x74: {  	_ =	shalt  }
0x75: {  	_ =	shalt  }
0x76: {  	_ =	shalt  }
0x77: {  	_ =	shalt  }
0x78: {  	_ =	shalt  }
0x79: {  	_ =	shalt  }
0x7a: {  	_ =	shalt  }
0x7b: {  	_ =	shalt  }
0x7c: {  	_ =	shalt  }
0x7d: {  	_ =	shalt  }
0x7e: {  	_ =	shalt  }
0x7f: {  	_ =	shalt  }
0x80: {  	_ =	shalt  }
0x81: {  	_ =	shalt  }
0x82: {  	_ =	shalt  }
0x83: {  	_ =	shalt  }
0x84: {  	_ =	shalt  }
0x85: {  	_ =	shalt  }
0x86: {  	_ =	shalt  }
0x87: {  	_ =	shalt  }
.Lfunc_end0:
.L_simem_size_0:
called_computation.1_lowered:
.L_overlay_start_0:
0x88: {  	s0 =	sld [smem:$0x3FD9]  }
0x89: {  	s1 =	sld [smem:$0x3FFE];
	_ =	sdelay $0x3  }
0x8a: {  	s0 =	sadd.s32 s1, s0  }
0x8b: {  	[smem:$0x3FC1] =	sst s0  }
0x8c: {  	_ = 	snop  }
0x8d: {  	s0 =	sld [smem:$0x3FC7];
	(tm) =	ssettm $0x1  }
0x8e: {  	s16 =	sld [smem:$0x3FFB];
	_ =	sdelay $0x3  }
0x8f: {  	_ =	strace s16  }
0x90: {  	s1 =	sld [smem:$0x3FFC];
	_ =	sdelay $0x3  }
0x91: {  	_ =	strace s1  }
0x92: {  	s1 =	sld [smem:$0x3FFD];
	_ =	sdelay $0x3  }
0x93: {  	_ =	strace s1  }
0x94: {  	_ =	strace $0x8FFFFFFF  }
0x95: {  	s17 =	sld [smem:$0x3FDB];
	_ =	sdelay $0x1  }
0x96: {  	s2 =	simm.s32 $_scs_section_size  }
0x97: {  	s3 =	simm.s32 $_size__tile_overlayer_lowered;
	s4 =	simm.s32 $_tile_overlayer_lowered  }
0x98: {  	s20 =	simm.s32 $0x1BFF;
	s19 =	sshll.u32 s4, $0x1;
	s1 =	sadd.s32 s2, s17  }
0x99: {  	s5 =	simm.s32 $0x0;
	s18 =	sshll.u32 s3, $0x1;
	s3 =	sadd.s32 s19, s1  }
0x9a: {  	[timem:s5], [sflag:s20] =	dma.local [hbm:s3], s18  }
0x9b: {  	_ =	swait.ge [sflag:s20], s18  }
0x9c: {  	s2 =	ssub.s32 $0x0, s18;
	[sflag:s20] =	ssyncset.done $0x0  }
0x9d: {  	[sflag:s20] =	ssyncadd.s32 s2;
	_ =	sdelay $0x1  }
0x9e: {  	s21 =	simm.s32 $0x1B8B  }
0x9f: {  	_ =	swait.ge [sflag:s21], $0x1  }
0xa0: {  	[sflag:s21] =	ssyncset.done $0x0  }
0xa1: {  	s23 =	simm.s32 $0x1B8E;
	s22 =	sld [smem:$0x3FFE];
	[sflag:s21] =	ssyncadd.s32 $0xFFFFFFFF  }
0xa2: {  	s24 =	simm.s32 $execute0_lowered;
	[smem:$0x3FD2] =	sst s23  }
0xa3: {  	s3 =	sshll.u32 s24, $0x1;
	_ =	strace $0x80000046;
	[dreg:$0x1] =	wrdreg $0xFFFFFFFF  }
0xa4: {  	s25 =	simm.s32 $_size_execute0_lowered;
	s1 =	sadd.s32 s1, s3;
	[dreg:$0x0] =	wrdreg $0x0  }
0xa5: {  	s3 =	sshll.u32 s25, $0x1;
	[dreg:$0x2] =	wrdreg s1  }
0xa6: {  	[dreg:$0x3] =	wrdreg s3  }
0xa7: {  	[dreg:$0x4] =	wrdreg $0xC0  }
0xa8: {  	_ =	task [dreg:s5], $0x5FFFF  }
0xa9: {  	[dreg:$0x1] =	wrdreg $0xFFFFFFFF  }
0xaa: {  	[dreg:$0x0] =	wrdreg $0x60  }
0xab: {  	[dreg:$0x2] =	wrdreg s0  }
0xac: {  	[dreg:$0x3] =	wrdreg s22  }
0xad: {  	[dreg:$0x4] =	wrdreg $0xA  }
0xae: {  	_ =	task.clear_ibuf [dreg:s5], $0x5FFFF;
	_ =	strace $0x90000046  }
0xaf: {  	s26 =	simm.s32 $0xA;
	_ =	strace $0x80000048  }
0xb0: {  	_ =	swait.ge [sflag:s26], $0x1  }
0xb1: {  	[sflag:s26] =	ssyncadd.s32 $0xFFFFFFFF  }
0xb2: {  	_ =	strace $0x90000048  }
0xb3: {  	_ =	sfence  }
0xb4: {  	s28 =	sld [smem:$0x0];
	_ =	sdelay $0x1  }
0xb5: {  	s29 =	srdreg.scid  }
0xb6: {  	s30 =	sshll.u32 s29, $0xD;
	s31 =	sshrl.u32 s29, $0x2  }
0xb7: {  	s2 =	sand.u32 $0x4000, s30;
	s1 =	sand.u32 $0x1, s29;
	s0 =	sadd.s32 s31, s28  }
0xb8: {  	s1 =	sor.u32 s2, s1;
	s0 =	sshll.u32 s0, $0x11  }
0xb9: {  	s0 =	sor.u32 s0, s1  }
0xba: {  	s0 =	sadd.s32 $0x8F2B, s0  }
0xbb: {  	[sflag:s0] =	ssyncadd.remote.s32 $0x1  }
0xbc: {  	_ =	sfence.sel $0xFFFF  }
0xbd: {  	[dreg:$0x0] =	wrdreg $0xFFFFFFFF;
	(pc) =	sbr.abs _section_cstart, $3  }
0xbe: {  	[dreg:$0x1] =	wrdreg $0xFFFFFFFF  }
0xbf: {  	_ =	task.clear_ibuf [dreg:s5], $0x2FFFF;
	_ =	strace $0x9FFFFFFF  }
0xc0: {  	(tm) =	ssettm $0x7FFFFFFF  }
0xc1: {  	_ =	shalt  }
tec
execute0_lowered:
.L_overlay_start_1:
0x0: {  	(tag) =	ssettag $0x1  }
0x1: {  	s0 =	stileid.u32  }
0x2: {  	s1 =	smin.u32 s0, $0x9  }
0x3: {  	s1 =	sadd.s32 s0, s1  }
0x4: {  	s2 =	simm.s32 $0x320;
	p0 =	slt.u32 s0, $0x9;
	s1 =	smul.u32 $0x190, s1  }
0x5: {  	s2 =	simm.s32 @!p0 $0x190  }
0x6: {  	s2 =	sadd.s32 s2, s1  }
0x7: {  	s3 =	smin.u32 s2, $0x2710  }
0x8: {  	s7 =	ssub.s32 s3, s1  }
0x9: {  	p0 =	sgt.s32 s7, $0x0  }
0xa: {  	s7 =	simm.s32 @!p0 $0x0  }
0xb: {  	s31 =	sand.u32 $0xFFF0, s7  }
0xc: {  	s2 =	sshrl.u32 s31, $0x4  }
0xd: {  	s4 =	rddreg [dreg:$0x0];
	s2 =	smul.u32 $0xA3E, s2  }
0xe: {  	s9 =	rddreg [dreg:$0x1];
	s6 =	simm.s32 $0x1  }
0xf: {  	s11 =	simm.s32 $0x3;
	s13 =	simm.s32 $0x0;
	s8 =	sshrl.u32 s2, $0x10  }
0x10: {  	s12 =	simm.s32 $0x0;
	s5 =	sadd.s32 $0x1800, s9;
	s10 =	smul.u32 $0x190, s8  }
.Ltmp0:
0x11: {  	s9 =	sadd.s32 $0x1E00, s9;
	s2 =	rddreg [dreg:$0x2];
	(pc) =	sbr.rel .LBB2_1-.Ltmp0, $4  }
0x12: {  	_ =	strace $0x80000047;
	p0 =	sne.s32 s7, s10;
	s10 =	simm.s32 $0x1  }
0x13: {  	[sflag:s6] =	ssyncpa.u1 $0x0;
	s7 =	simm.s32 $0x2;
	s10 =	simm.s32 @!p0 $0x0  }
0x14: {  	[sflag:s7] =	ssyncpa.u1 $0x0;
	p0 =	por $0x0, $0x0;
	s8 =	sadd.s32 s8, s10  }
0x15: {  	vm0 =	vmmov $0xff;
	vm1 =	vcmask $0x3F20;
	[sflag:s11] =	ssyncpa.u1 $0x0;
	s11 =	smov.u32 s1;
	s10 =	sadd.s32 $0x1, s8  }
.LBB2_6:
0x16: {  	[hbm:s17] =	stream.linear.scatter [tilespmem:s14], [sflag:$0x3], $0x400, $0x38;
	[tilespmem:$0x19320] =	vst v63  }
.LBB2_7:
0x17: {  	s13 =	sadd.s32 $0x190, s11  }
0x18: {  	s15 =	smov.u32 s1;
	p2 =	slt.s32 s13, s3  }
0x19: {  	s15 =	smov.u32 @p2 s13;
	p2 =	sne.s32 s12, s10  }
.Ltmp1:
0x1a: {  	p1 =	slt.u32 s12, $0x2;
	(pc) =	sbr.rel @!p2 .LBB2_8-.Ltmp1, $4  }
0x1b: {  	s14 =	simm.s32 @!p1 $0x3  }
0x1c: {  	s16 =	sadd.s32 $0x1, s12;
	_ =	swait.ge @!p1 [sflag:s14], $0xC800  }
0x1d: {  	p0 =	por !p0, !p0;
	s13 =	smov.u32 s11;
	[sflag:s14] =	ssyncset.done @!p1 $0x0  }
0x1e: {  	s12 =	smov.u32 s16;
	s11 =	smov.u32 s15;
	[sflag:s14] =	ssyncadd.s32 @!p1 $0xFFFF3800  }
.LBB2_1:
0x1f: {  	p1 =	sge.u32 s12, s8  }
0x20: {  	s14 =	sxor.u32 @!p1 $0xFFFFFFFF, s12  }
0x21: {  	s14 =	sand.u32 @!p1 $0x1, s14  }
0x22: {  	s14 =	smul.u32 @!p1 $0x640, s14  }
0x23: {  	s31 =	sadd.s32 $0xFFFFFFFF, s12;
	s15 =	sshrl.u32 @!p1 s11, $0x3  }
0x24: {  	s16 =	sand.u32 @!p1 $0x7, s11;
	s15 =	sadd.s32 @!p1 s5, s15;
	s14 =	sshrl.u32 @!p1 s14, $0x2  }
0x25: {  	[tilespmem:s14], [sflag:$0x2] =	stream.linear.gather @!p1 [hbm4b:s15+s16], $0x190, $0x38;
	[tilespmem:$0x19320] =	vst v63  }
0x26: {  	p1 =	sge.u32 s31, s8  }
.Ltmp2:
0x27: {  	_ = 	snop;
	(pc) =	sbr.rel @p1 .LBB2_7-.Ltmp2, $1  }
0x28: {  	_ =	sdelay $0x3  }
0x29: {  	s14 =	simm.s32 $0x1  }
0x2a: {  	s14 =	simm.s32 @!p0 $0x0  }
0x2b: {  	s15 =	smul.u32 $0x640, s14  }
0x2c: {  	_ =	swait.ge [sflag:s7], $0x190  }
0x2d: {  	[sflag:s7] =	ssyncset.done $0x0;
	s16 =	sshrl.u32 s15, $0x2  }
0x2e: {  	[sflag:s7] =	ssyncadd.s32 $0xFFFFFE70;
	s15 =	sadd.s32 $0x0, s16  }
0x2f: {  	v0 =	vld.msk [tilespmem:s15+$0x0 ss:$0x1], $0xffff;
	_ =	sdelay $0x4  }
0x30: {  	vm2 =	vgt.s32 v0, $0x0  }
0x31: {  	v0 =	vnsel vm2, $0x0, v0  }
0x32: {  	v0 =	vmin.u32 v0, $0x270F  }
0x33: {  	v0 =	vshll.u32 v0, $0x4  }
0x34: {  	s14 =	smul.u32 $0x32000, s14;
	_ =	sdelay $0x1  }
0x35: {  	s14 =	sshrl.u32 s14, $0x2  }
0x36: {  	s14 =	sor.u32 $0x320, s14  }
0x37: {  	[tilespmem:s14], [sflag:$0x1] =	stream.indirect_vreg.gather [hbm:s4], $0x80, v0, vm0, $0x38;
	[tilespmem:$0x19320] =	vst v63  }
0x38: {  	s17 =	sadd.s32 $0x10, s16;
	s15 =	sadd.s32 $0x400, s14  }
0x39: {  	[tilespmem:s15], [sflag:$0x1] =	stream.indirect_vreg.gather [hbm:s4], $0x80, v0, vm1, $0x38;
	[tilespmem:$0x19320] =	vst v63  }
0x3a: {  	s18 =	simm.s32 $0x80;
	v0 =	vld.msk [tilespmem:s17+$0x0 ss:$0x1], $0xffff;
	s17 =	smov.u32 s14  }
.LBB2_3:
0x3b: {  	p1 =	sne.s32 s18, $0x600;
	_ =	sdelay $0x4  }
0x3c: {  	vm2 =	vgt.s32 v0, $0x0  }
0x3d: {  	v0 =	vnsel vm2, $0x0, v0  }
0x3e: {  	v0 =	vmin.u32 v0, $0x270F  }
0x3f: {  	v0 =	vshll.u32 v0, $0x4;
	_ =	sdelay $0x3  }
.Ltmp3:
0x40: {  	s19 =	sshra.s32 s18, $0x2;
	s17 =	sadd.s32 $0x800, s17;
	(pc) =	sbr.rel @p1 .LBB2_3-.Ltmp3, $4  }
0x41: {  	[tilespmem:s17], [sflag:$0x1] =	stream.indirect_vreg.gather [hbm:s4], $0x80, v0, vm0, $0x38;
	[tilespmem:$0x19320] =	vst v63  }
0x42: {  	s19 =	sadd.s32 s19, s16;
	s20 =	sadd.s32 $0x400, s17  }
0x43: {  	[tilespmem:s20], [sflag:$0x1] =	stream.indirect_vreg.gather [hbm:s4], $0x80, v0, vm1, $0x38;
	[tilespmem:$0x19320] =	vst v63  }
0x44: {  	s18 =	sadd.s32 $0x40, s18;
	v0 =	vld.msk [tilespmem:s19+$0x0 ss:$0x1], $0xffff  }
0x45: {  	_ =	sdelay $0x3  }
0x46: {  	vm2 =	vgt.s32 v0, $0x0  }
0x47: {  	v0 =	vnsel vm2, $0x0, v0  }
0x48: {  	v0 =	vmin.u32 v0, $0x270F  }
0x49: {  	v0 =	vshll.u32 v0, $0x4;
	_ =	sdelay $0x3  }
0x4a: {  	s16 =	sadd.s32 $0x800, s17  }
0x4b: {  	[tilespmem:s16], [sflag:$0x1] =	stream.indirect_vreg.gather [hbm:s4], $0x80, v0, vm0, $0x38;
	[tilespmem:$0x19320] =	vst v63  }
0x4c: {  	s16 =	sadd.s32 $0x400, s16  }
0x4d: {  	[tilespmem:s16], [sflag:$0x1] =	stream.indirect_vreg.gather [hbm:s4], $0x80, v0, vm1, $0x38;
	[tilespmem:$0x19320] =	vst v63  }
0x4e: {  	s13 =	sshll.u32 s13, $0x4;
	_ =	swait.ge [sflag:s6], $0xC800  }
0x4f: {  	s13 =	sadd.s32 s13, s9;
	[sflag:s6] =	ssyncset.done $0x0  }
0x50: {  	s17 =	sadd.s32 $0x0, s13;
	s16 =	simm.s32 $0x80;
	[sflag:s6] =	ssyncadd.s32 $0xFFFF3800  }
.LBB2_5:
0x51: {  	[hbm:s17] =	stream.linear.scatter [tilespmem:s14], [sflag:$0x3], $0x400, $0x38;
	[tilespmem:$0x19320] =	vst v63  }
0x52: {  	s17 =	smov.u32 s16;
	s14 =	smov.u32 s15;
	p1 =	sne.s32 s16, $0x1880  }
.Ltmp4:
0x53: {  	s16 =	sadd.s32 $0x80, s16;
	(pc) =	sbr.rel @p1 .LBB2_5-.Ltmp4, $2  }
0x54: {  	_ =	sdelay $0x2  }
0x55: {  	s15 =	sadd.s32 $0x400, s15;
	s17 =	sadd.s32 s17, s13  }
.Ltmp5:
0x56: {  	_ = 	snop;
	(pc) =	sbr.rel .LBB2_6-.Ltmp5, $1  }
0x57: {  	_ =	sdelay $0x3  }
.LBB2_8:
0x58: {  	_ =	sfence.sel $0x180000  }
0x59: {  	s1 =	simm.s32 $0x2;
	[bflag:$0x0] =	sbarrier.arrive $0xFFFF  }
0x5a: {  	s30 =	simm.s32 $0x3;
	[sflag:s1] =	ssyncpa.u1 $0x1  }
0x5b: {  	s31 =	simm.s32 $0x1;
	[sflag:s30] =	ssyncpa.u1 $0x1  }
0x5c: {  	[sflag:s31] =	ssyncpa.u1 $0x1  }
0x5d: {  	p0 =	sne.s32 s0, $0x0;
	_ =	strace $0x90000047  }
0x5e: {  	s0 =	sadd.s32 @!p0 $0x100000, s2;
	[bflag:$0x2] =	sbarrier.arrive $0xFFFF  }
0x5f: {  	[sflag:s0] =	ssyncadd.tile.s32 @!p0 $0x1;
	_ =	shalt  }
.Lfunc_end2:
_tile_overlayer_lowered:
.L_overlay_start_2:
0x60: {  	(tag) =	ssettag $0x2  }
0x61: {  	s0 =	rddreg [dreg:$0x0];
	s2 =	stileid.u32  }
0x62: {  	s1 =	rddreg [dreg:$0x1];
	p0 =	sne.s32 s2, $0x0  }
0x63: {  	s3 =	rddreg [dreg:$0x2];
	[bflag:$0x3] =	sbarrier.arrive $0xFFFF;
	s2 =	simm.s32 @!p0 $0x1C01  }
0x64: {  	[timem:s3], [sflag:s2] =	dma.local @!p0 [hbm:s0], s1  }
0x65: {  	s0 =	simm.s32 @!p0 $0x1  }
0x66: {  	_ =	swait.ge @!p0 [sflag:s0], s1  }
0x67: {  	s1 =	ssub.s32 @!p0 $0x0, s1;
	[sflag:s0] =	ssyncset.done @!p0 $0x0  }
0x68: {  	[sflag:s0] =	ssyncadd.s32 @!p0 s1  }
0x69: {  	[bflag:$0x3] =	sbarrier.arrive $0xFFFF  }
0x6a: {  	_ =	shalt  }

// kernel: gather_offload_async_start
scs
__scs_entry_jumppad:
0x0: {  	(pc) =	sbr.rel $0x88, $3  }
0x1: {  	(tag) =	ssettag $0x0;
	lr =	simm.s32 $0x1  }
0x2: {  	[smem:$0x3F9A] =	sst lr;
	_ =	strace $0xD0000000  }
0x3: {  	_ = 	snop  }
0x4: {  	_ = 	snop  }
0x5: {  	_ = 	snop  }
0x6: {  	_ = 	snop  }
0x7: {  	_ = 	snop  }
__scs_overlays_trampoline_lowered:
0x8: {  	[smem:$0x3FA9] =	sst s0  }
0x9: {  	[smem:$0x3FAA] =	sst s1  }
0xa: {  	[smem:$0x3FAB] =	sst s2  }
0xb: {  	[smem:$0x3FAC] =	sst s3  }
0xc: {  	[smem:$0x3FAD] =	sst s4  }
0xd: {  	[smem:$0x3FAE] =	sst s5  }
0xe: {  	[smem:$0x3FAF] =	sst s6  }
0xf: {  	[smem:$0x3FB0] =	sst s7  }
0x10: {  	[smem:$0x3FB1] =	sst s8  }
0x11: {  	[smem:$0x3FB2] =	sst s9;
	s0 =	simm.s32 @!p0 $0x0  }
0x12: {  	s1 =	sld [smem:$0x3F98];
	s0 =	simm.s32 @p0 $0x1  }
0x13: {  	[smem:$0x3FB3] =	sst s0;
	s0 =	simm.s32 @!p1 $0x0  }
0x14: {  	s2 =	sld [smem:$0x3F97];
	s0 =	simm.s32 @p1 $0x1  }
0x15: {  	[smem:$0x3FB4] =	sst s0;
	s0 =	simm.s32 @!p2 $0x0  }
0x16: {  	s3 =	sld [smem:$0x3FDB];
	s0 =	simm.s32 @p2 $0x1  }
0x17: {  	s4 =	simm.s32 $0x1BF5;
	[smem:$0x3FB6] =	sst s0  }
0x18: {  	s0 =	sld [smem:$0x3F99];
	_ =	swait.ge [sflag:s4], $0x0  }
0x19: {  	s7 =	sld [smem:$0x3F9A]  }
0x1a: {  	s8 =	sadd.s32 $0xFFFFE003, lr  }
0x1b: {  	s9 =	sadd.s32 $0xFFFFFEF7, lr;
	s5 =	simm.s32 $0xFFFFFFFF;
	p2 =	slt.u32 s8, $0xFFFFF086  }
0x1c: {  	p1 =	slt.u32 s9, $0xF7A;
	s5 =	simm.s32 @!p2 $0x0  }
0x1d: {  	s5 =	simm.s32 @p1 $0x1;
	p0 =	seq.s32 s7, s2  }
0x1e: {  	s7 =	smul.u32 @!p0 $0xF7A, s2;
	p2 =	seq.s32 @!p0 s5, $0x0  }
0x1f: {  	s9 =	smul.u32 $0xF7A, s1;
	s8 =	simm.s32 @!p0 $0x1BF5;
	p2 =	por !p2, p0  }
0x20: {  	[sflag:s8] =	ssyncset.s32 @!p0 $0xFFFFF086;
	s6 =	sadd.s32 @!p0 s3, s7;
	s7 =	simm.s32 @!p0 $0x108  }
0x21: {  	s3 =	sadd.s32 s3, s9;
	s6 =	sadd.s32 @!p0 $0x88, s6;
	s7 =	simm.s32 @p2 $0x1082  }
0x22: {  	[simem:s7], [sflag:s8] =	dma.local @!p0 [hbm:s6], $0xF7A  }
0x23: {  	s9 =	sor.u32 $0xD0000000, s2;
	s6 =	simm.s32 $0x108;
	_ =	swait.ge @!p0 [sflag:s8], $0x0  }
0x24: {  	s3 =	sadd.s32 $0x88, s3;
	s6 =	simm.s32 @!p1 $0x1082;
	[sflag:s4] =	ssyncset.s32 $0xFFFFF086  }
0x25: {  	[simem:s6], [sflag:s4] =	dma.local [hbm:s3], $0xF7A  }
0x26: {  	[smem:$0x3F9A] =	sst s1;
	(tag) =	ssettag s2;
	_ =	strace s9  }
0x27: {  	s1 =	sld [smem:$0x3FAA]  }
0x28: {  	s2 =	sld [smem:$0x3FAB]  }
0x29: {  	s4 =	sld [smem:$0x3FAD]  }
0x2a: {  	p0 =	seq.s32 s5, $0x0;
	s5 =	sld [smem:$0x3FAE]  }
0x2b: {  	s6 =	sld [smem:$0x3FAF]  }
0x2c: {  	s7 =	sld [smem:$0x3FB0]  }
0x2d: {  	s3 =	simm.s32 $0x108;
	s8 =	sld [smem:$0x3FB1]  }
0x2e: {  	s3 =	simm.s32 @!p0 $0x1082;
	s9 =	sld [smem:$0x3FB2]  }
0x2f: {  	lr =	sadd.s32 s0, s3;
	s0 =	sld [smem:$0x3FA9]  }
0x30: {  	s3 =	sld [smem:$0x3FAC]  }
0x31: {  	[smem:$0x3FB5] =	sst s10  }
0x32: {  	s10 =	sld [smem:$0x3FB3];
	_ =	sdelay $0x3  }
0x33: {  	p0 =	seq.s32 s10, $0x1;
	s10 =	sld [smem:$0x3FB5];
	_ =	sdelay $0x3  }
0x34: {  	[smem:$0x3FB5] =	sst s10  }
0x35: {  	s10 =	sld [smem:$0x3FB4];
	_ =	sdelay $0x3  }
0x36: {  	p1 =	seq.s32 s10, $0x1;
	s10 =	sld [smem:$0x3FB5];
	_ =	sdelay $0x3  }
0x37: {  	[smem:$0x3FB5] =	sst s10  }
0x38: {  	s10 =	sld [smem:$0x3FB6]  }
0x39: {  	_ = 	snop;
	(pc) =	sbr.ind lr, $3  }
0x3a: {  	_ = 	snop  }
0x3b: {  	_ = 	snop  }
0x3c: {  	p2 =	seq.s32 s10, $0x1;
	s10 =	sld [smem:$0x3FB5]  }
0x3d: {  	_ =	shalt  }
0x3e: {  	_ =	shalt  }
0x3f: {  	_ =	shalt  }
0x40: {  	_ =	shalt  }
0x41: {  	_ =	shalt  }
0x42: {  	_ =	shalt  }
0x43: {  	_ =	shalt  }
0x44: {  	_ =	shalt  }
0x45: {  	_ =	shalt  }
0x46: {  	_ =	shalt  }
0x47: {  	_ =	shalt  }
0x48: {  	_ =	shalt  }
0x49: {  	_ =	shalt  }
0x4a: {  	_ =	shalt  }
0x4b: {  	_ =	shalt  }
0x4c: {  	_ =	shalt  }
0x4d: {  	_ =	shalt  }
0x4e: {  	_ =	shalt  }
0x4f: {  	_ =	shalt  }
0x50: {  	_ =	shalt  }
0x51: {  	_ =	shalt  }
0x52: {  	_ =	shalt  }
0x53: {  	_ =	shalt  }
0x54: {  	_ =	shalt  }
0x55: {  	_ =	shalt  }
0x56: {  	_ =	shalt  }
0x57: {  	_ =	shalt  }
0x58: {  	_ =	shalt  }
0x59: {  	_ =	shalt  }
0x5a: {  	_ =	shalt  }
0x5b: {  	_ =	shalt  }
0x5c: {  	_ =	shalt  }
0x5d: {  	_ =	shalt  }
0x5e: {  	_ =	shalt  }
0x5f: {  	_ =	shalt  }
0x60: {  	_ =	shalt  }
0x61: {  	_ =	shalt  }
0x62: {  	_ =	shalt  }
0x63: {  	_ =	shalt  }
0x64: {  	_ =	shalt  }
0x65: {  	_ =	shalt  }
0x66: {  	_ =	shalt  }
0x67: {  	_ =	shalt  }
0x68: {  	_ =	shalt  }
0x69: {  	_ =	shalt  }
0x6a: {  	_ =	shalt  }
0x6b: {  	_ =	shalt  }
0x6c: {  	_ =	shalt  }
0x6d: {  	_ =	shalt  }
0x6e: {  	_ =	shalt  }
0x6f: {  	_ =	shalt  }
0x70: {  	_ =	shalt  }
0x71: {  	_ =	shalt  }
0x72: {  	_ =	shalt  }
0x73: {  	_ =	shalt  }
0x74: {  	_ =	shalt  }
0x75: {  	_ =	shalt  }
0x76: {  	_ =	shalt  }
0x77: {  	_ =	shalt  }
0x78: {  	_ =	shalt  }
0x79: {  	_ =	shalt  }
0x7a: {  	_ =	shalt  }
0x7b: {  	_ =	shalt  }
0x7c: {  	_ =	shalt  }
0x7d: {  	_ =	shalt  }
0x7e: {  	_ =	shalt  }
0x7f: {  	_ =	shalt  }
0x80: {  	_ =	shalt  }
0x81: {  	_ =	shalt  }
0x82: {  	_ =	shalt  }
0x83: {  	_ =	shalt  }
0x84: {  	_ =	shalt  }
0x85: {  	_ =	shalt  }
0x86: {  	_ =	shalt  }
0x87: {  	_ =	shalt  }
.Lfunc_end0:
.L_simem_size_0:
called_computation_lowered:
.L_overlay_start_0:
0x88: {  	s0 =	sld [smem:$0x3FD9]  }
0x89: {  	s1 =	sld [smem:$0x3FFE];
	_ =	sdelay $0x3  }
0x8a: {  	s0 =	sadd.s32 s1, s0  }
0x8b: {  	[smem:$0x3FC1] =	sst s0  }
0x8c: {  	_ = 	snop  }
0x8d: {  	s0 =	sld [smem:$0x3FC8]  }
0x8e: {  	s16 =	sld [smem:$0x3FD0];
	(tm) =	ssettm $0x1  }
0x8f: {  	s2 =	sld [smem:$0x3FFB];
	_ =	sdelay $0x3  }
0x90: {  	_ =	strace s2  }
0x91: {  	s2 =	sld [smem:$0x3FFC];
	_ =	sdelay $0x3  }
0x92: {  	_ =	strace s2  }
0x93: {  	s2 =	sld [smem:$0x3FFD];
	_ =	sdelay $0x3  }
0x94: {  	_ =	strace s2  }
0x95: {  	_ =	strace $0x8FFFFFFF  }
0x96: {  	s17 =	sld [smem:$0x3FDB];
	_ =	sdelay $0x1  }
0x97: {  	s3 =	simm.s32 $_scs_section_size  }
0x98: {  	s4 =	simm.s32 $_size__tile_overlayer_lowered;
	s5 =	simm.s32 $_tile_overlayer_lowered  }
0x99: {  	s20 =	simm.s32 $0x1BFF;
	s19 =	sshll.u32 s5, $0x1;
	s2 =	sadd.s32 s3, s17  }
0x9a: {  	s6 =	simm.s32 $0x0;
	s18 =	sshll.u32 s4, $0x1;
	s4 =	sadd.s32 s19, s2  }
0x9b: {  	[timem:s6], [sflag:s20] =	dma.local [hbm:s4], s18  }
0x9c: {  	_ =	swait.ge [sflag:s20], s18  }
0x9d: {  	s3 =	ssub.s32 $0x0, s18;
	[sflag:s20] =	ssyncset.done $0x0  }
0x9e: {  	[sflag:s20] =	ssyncadd.s32 s3;
	_ =	sdelay $0x1  }
0x9f: {  	s21 =	simm.s32 $0x1B8B  }
0xa0: {  	_ =	swait.ge [sflag:s21], $0x1  }
0xa1: {  	[sflag:s21] =	ssyncset.done $0x0  }
0xa2: {  	s23 =	simm.s32 $0x1B8E;
	s22 =	sld [smem:$0x3FFE];
	[sflag:s21] =	ssyncadd.s32 $0xFFFFFFFF  }
0xa3: {  	s24 =	simm.s32 $execute0_lowered;
	[smem:$0x3FD2] =	sst s23  }
0xa4: {  	s4 =	sshll.u32 s24, $0x1;
	_ =	strace $0x80000049;
	[dreg:$0x1] =	wrdreg $0xFFFFFFFF  }
0xa5: {  	s25 =	simm.s32 $_size_execute0_lowered;
	s2 =	sadd.s32 s2, s4;
	[dreg:$0x0] =	wrdreg $0x0  }
0xa6: {  	s4 =	sshll.u32 s25, $0x1;
	[dreg:$0x2] =	wrdreg s2  }
0xa7: {  	[dreg:$0x3] =	wrdreg s4  }
0xa8: {  	[dreg:$0x4] =	wrdreg $0xC0  }
0xa9: {  	_ =	task [dreg:s6], $0x5FFFF  }
0xaa: {  	[dreg:$0x1] =	wrdreg $0xFFFFFFFF  }
0xab: {  	[dreg:$0x0] =	wrdreg $0x60  }
0xac: {  	[dreg:$0x2] =	wrdreg s0  }
0xad: {  	[dreg:$0x3] =	wrdreg s22  }
0xae: {  	[dreg:$0x4] =	wrdreg s16  }
0xaf: {  	[dreg:$0x5] =	wrdreg $0x9  }
0xb0: {  	_ =	task.clear_ibuf [dreg:s6], $0x6FFFF;
	_ =	strace $0x90000049  }
0xb1: {  	s26 =	simm.s32 $0x9;
	_ =	strace $0x8000004B  }
0xb2: {  	_ =	swait.ge [sflag:s26], $0x1  }
0xb3: {  	[sflag:s26] =	ssyncadd.s32 $0xFFFFFFFF  }
0xb4: {  	_ =	strace $0x9000004B  }
0xb5: {  	_ =	sfence  }
0xb6: {  	s28 =	sld [smem:$0x0];
	_ =	sdelay $0x1  }
0xb7: {  	s29 =	srdreg.scid  }
0xb8: {  	s30 =	sshll.u32 s29, $0xD;
	s31 =	sshrl.u32 s29, $0x2  }
0xb9: {  	s1 =	sand.u32 $0x1, s29;
	s2 =	sand.u32 $0x4000, s30;
	s0 =	sadd.s32 s31, s28  }
0xba: {  	s1 =	sor.u32 s2, s1;
	s0 =	sshll.u32 s0, $0x11  }
0xbb: {  	s0 =	sor.u32 s0, s1  }
0xbc: {  	s0 =	sadd.s32 $0x8F2B, s0  }
0xbd: {  	[sflag:s0] =	ssyncadd.remote.s32 $0x1  }
0xbe: {  	_ =	sfence.sel $0xFFFF  }
0xbf: {  	[dreg:$0x0] =	wrdreg $0xFFFFFFFF;
	(pc) =	sbr.abs _section_cstart, $3  }
0xc0: {  	[dreg:$0x1] =	wrdreg $0xFFFFFFFF  }
0xc1: {  	_ =	task.clear_ibuf [dreg:s6], $0x2FFFF;
	_ =	strace $0x9FFFFFFF  }
0xc2: {  	(tm) =	ssettm $0x7FFFFFFF  }
0xc3: {  	_ =	shalt  }
tec
execute0_lowered:
.L_overlay_start_1:
0x0: {  	(tag) =	ssettag $0x1  }
0x1: {  	s0 =	stileid.u32  }
0x2: {  	s1 =	smin.u32 s0, $0x9  }
0x3: {  	s1 =	sadd.s32 s0, s1  }
0x4: {  	s2 =	simm.s32 $0x320;
	p0 =	slt.u32 s0, $0x9;
	s1 =	smul.u32 $0x190, s1  }
0x5: {  	s2 =	simm.s32 @!p0 $0x190  }
0x6: {  	s2 =	sadd.s32 s2, s1  }
0x7: {  	s3 =	smin.u32 s2, $0x2710  }
0x8: {  	s7 =	ssub.s32 s3, s1  }
0x9: {  	p0 =	sgt.s32 s7, $0x0  }
0xa: {  	s7 =	simm.s32 @!p0 $0x0  }
0xb: {  	s31 =	sand.u32 $0xFFF0, s7  }
0xc: {  	s4 =	rddreg [dreg:$0x0];
	s2 =	sshrl.u32 s31, $0x4  }
0xd: {  	s9 =	rddreg [dreg:$0x1];
	s2 =	smul.u32 $0xA3E, s2  }
0xe: {  	s5 =	rddreg [dreg:$0x2]  }
0xf: {  	s6 =	simm.s32 $0x1;
	s11 =	simm.s32 $0x3;
	s8 =	sshrl.u32 s2, $0x10  }
0x10: {  	s13 =	simm.s32 $0x0;
	s12 =	simm.s32 $0x0;
	s10 =	smul.u32 $0x190, s8  }
.Ltmp0:
0x11: {  	s9 =	sadd.s32 $0x1800, s9;
	s2 =	rddreg [dreg:$0x3];
	(pc) =	sbr.rel .LBB2_1-.Ltmp0, $4  }
0x12: {  	_ =	strace $0x8000004A;
	p0 =	sne.s32 s7, s10;
	s10 =	simm.s32 $0x1  }
0x13: {  	[sflag:s6] =	ssyncpa.u1 $0x0;
	s7 =	simm.s32 $0x2;
	s10 =	simm.s32 @!p0 $0x0  }
0x14: {  	[sflag:s7] =	ssyncpa.u1 $0x0;
	p0 =	por $0x0, $0x0;
	s8 =	sadd.s32 s8, s10  }
0x15: {  	vm0 =	vmmov $0xff;
	vm1 =	vcmask $0x3F20;
	[sflag:s11] =	ssyncpa.u1 $0x0;
	s11 =	smov.u32 s1;
	s10 =	sadd.s32 $0x1, s8  }
.LBB2_6:
0x16: {  	[hbm:s17] =	stream.linear.scatter [tilespmem:s14], [sflag:$0x3], $0x400, $0x38;
	[tilespmem:$0x19320] =	vst v63  }
.LBB2_7:
0x17: {  	s13 =	sadd.s32 $0x190, s11  }
0x18: {  	s15 =	smov.u32 s1;
	p2 =	slt.s32 s13, s3  }
0x19: {  	s15 =	smov.u32 @p2 s13;
	p2 =	sne.s32 s12, s10  }
.Ltmp1:
0x1a: {  	p1 =	slt.u32 s12, $0x2;
	(pc) =	sbr.rel @!p2 .LBB2_8-.Ltmp1, $4  }
0x1b: {  	s14 =	simm.s32 @!p1 $0x3  }
0x1c: {  	s16 =	sadd.s32 $0x1, s12;
	_ =	swait.ge @!p1 [sflag:s14], $0xC800  }
0x1d: {  	p0 =	por !p0, !p0;
	s13 =	smov.u32 s11;
	[sflag:s14] =	ssyncset.done @!p1 $0x0  }
0x1e: {  	s12 =	smov.u32 s16;
	s11 =	smov.u32 s15;
	[sflag:s14] =	ssyncadd.s32 @!p1 $0xFFFF3800  }
.LBB2_1:
0x1f: {  	p1 =	sge.u32 s12, s8  }
0x20: {  	s14 =	sxor.u32 @!p1 $0xFFFFFFFF, s12  }
0x21: {  	s14 =	sand.u32 @!p1 $0x1, s14  }
0x22: {  	s14 =	smul.u32 @!p1 $0x640, s14  }
0x23: {  	s31 =	sadd.s32 $0xFFFFFFFF, s12;
	s15 =	sshrl.u32 @!p1 s11, $0x3  }
0x24: {  	s16 =	sand.u32 @!p1 $0x7, s11;
	s15 =	sadd.s32 @!p1 s9, s15;
	s14 =	sshrl.u32 @!p1 s14, $0x2  }
0x25: {  	[tilespmem:s14], [sflag:$0x2] =	stream.linear.gather @!p1 [hbm4b:s15+s16], $0x190, $0x38;
	[tilespmem:$0x19320] =	vst v63  }
0x26: {  	p1 =	sge.u32 s31, s8  }
.Ltmp2:
0x27: {  	_ = 	snop;
	(pc) =	sbr.rel @p1 .LBB2_7-.Ltmp2, $1  }
0x28: {  	_ =	sdelay $0x3  }
0x29: {  	s14 =	simm.s32 $0x1  }
0x2a: {  	s14 =	simm.s32 @!p0 $0x0  }
0x2b: {  	s15 =	smul.u32 $0x640, s14  }
0x2c: {  	_ =	swait.ge [sflag:s7], $0x190  }
0x2d: {  	[sflag:s7] =	ssyncset.done $0x0;
	s16 =	sshrl.u32 s15, $0x2  }
0x2e: {  	[sflag:s7] =	ssyncadd.s32 $0xFFFFFE70;
	s15 =	sadd.s32 $0x0, s16  }
0x2f: {  	v0 =	vld.msk [tilespmem:s15+$0x0 ss:$0x1], $0xffff;
	_ =	sdelay $0x4  }
0x30: {  	vm2 =	vgt.s32 v0, $0x0  }
0x31: {  	v0 =	vnsel vm2, $0x0, v0  }
0x32: {  	v0 =	vmin.u32 v0, $0x270F  }
0x33: {  	v0 =	vshll.u32 v0, $0x4  }
0x34: {  	s14 =	smul.u32 $0x32000, s14;
	_ =	sdelay $0x1  }
0x35: {  	s14 =	sshrl.u32 s14, $0x2  }
0x36: {  	s14 =	sor.u32 $0x320, s14  }
0x37: {  	[tilespmem:s14], [sflag:$0x1] =	stream.indirect_vreg.gather [hbm:s4], $0x80, v0, vm0, $0x38;
	[tilespmem:$0x19320] =	vst v63  }
0x38: {  	s17 =	sadd.s32 $0x10, s16;
	s15 =	sadd.s32 $0x400, s14  }
0x39: {  	[tilespmem:s15], [sflag:$0x1] =	stream.indirect_vreg.gather [hbm:s4], $0x80, v0, vm1, $0x38;
	[tilespmem:$0x19320] =	vst v63  }
0x3a: {  	s18 =	simm.s32 $0x80;
	v0 =	vld.msk [tilespmem:s17+$0x0 ss:$0x1], $0xffff;
	s17 =	smov.u32 s14  }
.LBB2_3:
0x3b: {  	p1 =	sne.s32 s18, $0x600;
	_ =	sdelay $0x4  }
0x3c: {  	vm2 =	vgt.s32 v0, $0x0  }
0x3d: {  	v0 =	vnsel vm2, $0x0, v0  }
0x3e: {  	v0 =	vmin.u32 v0, $0x270F  }
0x3f: {  	v0 =	vshll.u32 v0, $0x4;
	_ =	sdelay $0x3  }
.Ltmp3:
0x40: {  	s19 =	sshra.s32 s18, $0x2;
	s17 =	sadd.s32 $0x800, s17;
	(pc) =	sbr.rel @p1 .LBB2_3-.Ltmp3, $4  }
0x41: {  	[tilespmem:s17], [sflag:$0x1] =	stream.indirect_vreg.gather [hbm:s4], $0x80, v0, vm0, $0x38;
	[tilespmem:$0x19320] =	vst v63  }
0x42: {  	s19 =	sadd.s32 s19, s16;
	s20 =	sadd.s32 $0x400, s17  }
0x43: {  	[tilespmem:s20], [sflag:$0x1] =	stream.indirect_vreg.gather [hbm:s4], $0x80, v0, vm1, $0x38;
	[tilespmem:$0x19320] =	vst v63  }
0x44: {  	s18 =	sadd.s32 $0x40, s18;
	v0 =	vld.msk [tilespmem:s19+$0x0 ss:$0x1], $0xffff  }
0x45: {  	_ =	sdelay $0x3  }
0x46: {  	vm2 =	vgt.s32 v0, $0x0  }
0x47: {  	v0 =	vnsel vm2, $0x0, v0  }
0x48: {  	v0 =	vmin.u32 v0, $0x270F  }
0x49: {  	v0 =	vshll.u32 v0, $0x4;
	_ =	sdelay $0x3  }
0x4a: {  	s16 =	sadd.s32 $0x800, s17  }
0x4b: {  	[tilespmem:s16], [sflag:$0x1] =	stream.indirect_vreg.gather [hbm:s4], $0x80, v0, vm0, $0x38;
	[tilespmem:$0x19320] =	vst v63  }
0x4c: {  	s16 =	sadd.s32 $0x400, s16  }
0x4d: {  	[tilespmem:s16], [sflag:$0x1] =	stream.indirect_vreg.gather [hbm:s4], $0x80, v0, vm1, $0x38;
	[tilespmem:$0x19320] =	vst v63  }
0x4e: {  	s13 =	sshll.u32 s13, $0x4;
	_ =	swait.ge [sflag:s6], $0xC800  }
0x4f: {  	s13 =	sadd.s32 s13, s5;
	[sflag:s6] =	ssyncset.done $0x0  }
0x50: {  	s17 =	sadd.s32 $0x0, s13;
	s16 =	simm.s32 $0x80;
	[sflag:s6] =	ssyncadd.s32 $0xFFFF3800  }
.LBB2_5:
0x51: {  	[hbm:s17] =	stream.linear.scatter [tilespmem:s14], [sflag:$0x3], $0x400, $0x38;
	[tilespmem:$0x19320] =	vst v63  }
0x52: {  	s17 =	smov.u32 s16;
	s14 =	smov.u32 s15;
	p1 =	sne.s32 s16, $0x1880  }
.Ltmp4:
0x53: {  	s16 =	sadd.s32 $0x80, s16;
	(pc) =	sbr.rel @p1 .LBB2_5-.Ltmp4, $2  }
0x54: {  	_ =	sdelay $0x2  }
0x55: {  	s15 =	sadd.s32 $0x400, s15;
	s17 =	sadd.s32 s17, s13  }
.Ltmp5:
0x56: {  	_ = 	snop;
	(pc) =	sbr.rel .LBB2_6-.Ltmp5, $1  }
0x57: {  	_ =	sdelay $0x3  }
.LBB2_8:
0x58: {  	_ =	sfence.sel $0x180000  }
0x59: {  	s1 =	simm.s32 $0x2;
	[bflag:$0x0] =	sbarrier.arrive $0xFFFF  }
0x5a: {  	s30 =	simm.s32 $0x3;
	[sflag:s1] =	ssyncpa.u1 $0x1  }
0x5b: {  	s31 =	simm.s32 $0x1;
	[sflag:s30] =	ssyncpa.u1 $0x1  }
0x5c: {  	[sflag:s31] =	ssyncpa.u1 $0x1  }
0x5d: {  	p0 =	sne.s32 s0, $0x0;
	_ =	strace $0x9000004A  }
0x5e: {  	s0 =	sadd.s32 @!p0 $0x100000, s2;
	[bflag:$0x2] =	sbarrier.arrive $0xFFFF  }
0x5f: {  	[sflag:s0] =	ssyncadd.tile.s32 @!p0 $0x1;
	_ =	shalt  }
.Lfunc_end2:
_tile_overlayer_lowered:
.L_overlay_start_2:
0x60: {  	(tag) =	ssettag $0x2  }
0x61: {  	s0 =	rddreg [dreg:$0x0];
	s2 =	stileid.u32  }
0x62: {  	s1 =	rddreg [dreg:$0x1];
	p0 =	sne.s32 s2, $0x0  }
0x63: {  	s3 =	rddreg [dreg:$0x2];
	[bflag:$0x3] =	sbarrier.arrive $0xFFFF;
	s2 =	simm.s32 @!p0 $0x1C01  }
0x64: {  	[timem:s3], [sflag:s2] =	dma.local @!p0 [hbm:s0], s1  }
0x65: {  	s0 =	simm.s32 @!p0 $0x1  }
0x66: {  	_ =	swait.ge @!p0 [sflag:s0], s1  }
0x67: {  	s1 =	ssub.s32 @!p0 $0x0, s1;
	[sflag:s0] =	ssyncset.done @!p0 $0x0  }
0x68: {  	[sflag:s0] =	ssyncadd.s32 @!p0 s1  }
0x69: {  	[bflag:$0x3] =	sbarrier.arrive $0xFFFF  }
0x6a: {  	_ =	shalt  }

</sc_bundles>
